<compile_context>
chip_gen: v7x
topology: tpu7x:2x2x1
jax: 0.10.2.dev20260603
libtpu: 0.0.44.dev20260713+nightly
codegen_flags: <defaults>
</compile_context>

<pallas_src>
import functools

import jax
import jax.numpy as jnp
from jax import lax
from jax.experimental import pallas as pl
from jax.experimental.pallas import tpu as pltpu
from jax.experimental.pallas import tpu_sc as plsc

N_NODES = 10000
NP = 10240
D_IN = 128
H_MID = 256
NUM_WORKERS = 32
FPW = 4
LANES = 16


def _pick_chunk(E):
    for ch in (2048, 2000, 1600, 1280, 1024, 800, 640, 512, 400, 320,
               256, 160, 128, 80, 64, 32, 16):
        if E % ch == 0:
            return ch
    raise ValueError(f"edge count {E} not divisible by a usable chunk")


def _sc_aggregate(table_flat, src, dst, F):
    E = src.shape[0]
    CH = _pick_chunk(E)
    P = F // (NUM_WORKERS * FPW)
    assert F % (NUM_WORKERS * FPW) == 0
    mesh = plsc.VectorSubcoreMesh(core_axis_name="c", subcore_axis_name="s")

    def body(table_hbm, src_hbm, dst_hbm, out_hbm, tab_v, acc_v, src_v, dst_v):
        wid = lax.axis_index("s") * 2 + lax.axis_index("c")
        for p in range(P):
            row0 = p * (NUM_WORKERS * FPW) + wid * FPW
            base = row0 * NP
            pltpu.sync_copy(table_hbm.at[pl.ds(base, FPW * NP)], tab_v)

            def zero_body(i, _):
                acc_v[pl.ds(i * LANES, LANES)] = jnp.zeros((LANES,), jnp.float32)
                return 0
            lax.fori_loop(0, (FPW * NP) // LANES, zero_body, 0)

            def chunk_body(k, _):
                pltpu.sync_copy(src_hbm.at[pl.ds(k * CH, CH)], src_v)
                pltpu.sync_copy(dst_hbm.at[pl.ds(k * CH, CH)], dst_v)

                def group_body(g, _):
                    s16 = src_v[pl.ds(g * LANES, LANES)]
                    d16 = dst_v[pl.ds(g * LANES, LANES)]
                    for c in range(FPW):
                        vals = plsc.load_gather(tab_v, [s16 + (c * NP)])
                        plsc.addupdate_scatter(acc_v, [d16 + (c * NP)], vals)
                    return 0
                lax.fori_loop(0, CH // LANES, group_body, 0)
                return 0
            lax.fori_loop(0, E // CH, chunk_body, 0)

            pltpu.sync_copy(acc_v, out_hbm.at[pl.ds(base, FPW * NP)])

    run = pl.kernel(
        body,
        out_type=jax.ShapeDtypeStruct((F * NP,), jnp.float32),
        mesh=mesh,
        compiler_params=pltpu.CompilerParams(needs_layout_passes=False),
        scratch_types=[
            pltpu.VMEM((FPW * NP,), jnp.float32),
            pltpu.VMEM((FPW * NP,), jnp.float32),
            pltpu.VMEM((CH,), jnp.int32),
            pltpu.VMEM((CH,), jnp.int32),
        ],
    )
    return run(table_flat, src, dst)


def _tc_layer(aggT, WT, b_col, alpha_col):
    F = aggT.shape[0]
    H = WT.shape[0]
    BN = 2048
    grid = NP // BN

    def body(a_ref, w_ref, b_ref, al_ref, o_ref):
        h = jnp.dot(w_ref[...], a_ref[...], preferred_element_type=jnp.float32)
        h = h + b_ref[...]
        o_ref[...] = jnp.where(h >= 0, h, al_ref[...] * h)

    return pl.pallas_call(
        body,
        grid=(grid,),
        in_specs=[
            pl.BlockSpec((F, BN), lambda i: (0, i)),
            pl.BlockSpec((H, F), lambda i: (0, 0)),
            pl.BlockSpec((H, 1), lambda i: (0, 0)),
            pl.BlockSpec((H, 1), lambda i: (0, 0)),
        ],
        out_specs=pl.BlockSpec((H, BN), lambda i: (0, i)),
        out_shape=jax.ShapeDtypeStruct((H, NP), jnp.float32),
    )(aggT, WT, b_col, alpha_col)


def _tc_head(aggT, WT, b_col, alpha_col, Wd, bd_row):
    F = aggT.shape[0]
    H = WT.shape[0]
    L = Wd.shape[1]
    BN = 2048
    grid = NP // BN

    def body(a_ref, w_ref, b_ref, al_ref, wd_ref, bd_ref, o_ref, pool_ref):
        i = pl.program_id(0)
        h = jnp.dot(w_ref[...], a_ref[...], preferred_element_type=jnp.float32)
        h = h + b_ref[...]
        h = jnp.where(h >= 0, h, al_ref[...] * h)
        col = lax.broadcasted_iota(jnp.int32, (H, BN), 1) + i * BN
        h = jnp.where(col < N_NODES, h, 0.0)
        part = jnp.sum(h, axis=1, keepdims=True)

        @pl.when(i == 0)
        def _():
            pool_ref[...] = part

        @pl.when(i > 0)
        def _():
            pool_ref[...] = pool_ref[...] + part

        @pl.when(i == grid - 1)
        def _():
            pooled = pool_ref[...]
            logits = jnp.sum(pooled * wd_ref[...], axis=0,
                             keepdims=True) + bd_ref[...]
            m = jnp.max(logits, axis=1, keepdims=True)
            e = jnp.exp(logits - m)
            o_ref[...] = e / jnp.sum(e, axis=1, keepdims=True)

    return pl.pallas_call(
        body,
        grid=(grid,),
        in_specs=[
            pl.BlockSpec((F, BN), lambda i: (0, i)),
            pl.BlockSpec((H, F), lambda i: (0, 0)),
            pl.BlockSpec((H, 1), lambda i: (0, 0)),
            pl.BlockSpec((H, 1), lambda i: (0, 0)),
            pl.BlockSpec((H, L), lambda i: (0, 0)),
            pl.BlockSpec((1, L), lambda i: (0, 0)),
        ],
        out_specs=pl.BlockSpec((1, L), lambda i: (0, 0)),
        out_shape=jax.ShapeDtypeStruct((1, L), jnp.float32),
        scratch_shapes=[pltpu.VMEM((H, 1), jnp.float32)],
    )(aggT, WT, b_col, alpha_col, Wd, bd_row)


@jax.jit
def kernel(x, edge_index, W1, b1, alpha1, W2, b2, alpha2, Wd, bd):
    src = edge_index[0]
    dst = edge_index[1]
    xT = jnp.pad(x.T, ((0, 0), (0, NP - N_NODES)))
    agg1 = _sc_aggregate(xT.reshape(-1), src, dst, D_IN)
    h1T = _tc_layer(agg1.reshape(D_IN, NP), W1.T,
                    b1.reshape(-1, 1), alpha1.reshape(-1, 1))
    agg2 = _sc_aggregate(h1T.reshape(-1), src, dst, H_MID)
    out = _tc_head(agg2.reshape(H_MID, NP), W2.T,
                   b2.reshape(-1, 1), alpha2.reshape(-1, 1),
                   Wd, bd.reshape(1, -1))
    return out[0]

# --- scband reference (transcript-rebuilt; emitter-appended) ---
"""Pipeline reference for scband-my-first-gnn-47218870452992 (READ-ONLY COPY).

The authoritative reference and input builder live on the scoring server;
editing this copy changes nothing except your own understanding.
"""

import jax, jax.numpy as jnp
import numpy as np

N = 10000
E = 320000
D = 128
H1 = 256
H2 = 256
L = 16


def _prelu(x, alpha):
    return jnp.where(x >= 0, x, alpha * x)


def setup_inputs(seed: int = 0) -> dict:
    key = jax.random.key(seed)
    ks = jax.random.split(key, 12)
    x = jax.random.normal(ks[0], (N, D), dtype=jnp.float32)
    edge_index = jax.random.randint(ks[1], (2, E), 0, N, dtype=jnp.int32)
    W1 = jax.random.normal(ks[2], (D, H1), dtype=jnp.float32) * (1.0 / np.sqrt(D))
    b1 = jnp.zeros((H1,), dtype=jnp.float32)
    alpha1 = jnp.full((H1,), 0.25, dtype=jnp.float32)
    W2 = jax.random.normal(ks[3], (H1, H2), dtype=jnp.float32) * (1.0 / np.sqrt(H1))
    b2 = jnp.zeros((H2,), dtype=jnp.float32)
    alpha2 = jnp.full((H2,), 0.25, dtype=jnp.float32)
    Wd = jax.random.normal(ks[4], (H2, L), dtype=jnp.float32) * (1.0 / np.sqrt(H2))
    bd = jnp.zeros((L,), dtype=jnp.float32)
    return {
        "x": x,
        "edge_index": edge_index,
        "W1": W1, "b1": b1, "alpha1": alpha1,
        "W2": W2, "b2": b2, "alpha2": alpha2,
        "Wd": Wd, "bd": bd,
    }


def reference(x, edge_index, W1, b1, alpha1, W2, b2, alpha2, Wd, bd):
    src = edge_index[0]
    dst = edge_index[1]
    # GeneralConv layer 1: message = x_j @ W1, aggregate = sum over incoming edges, then bias + PReLU
    m1 = jnp.take(x, src, axis=0) @ W1
    h1 = jax.ops.segment_sum(m1, dst, num_segments=N) + b1
    h1 = _prelu(h1, alpha1)
    # dropout is identity at inference
    # GeneralConv layer 2
    m2 = jnp.take(h1, src, axis=0) @ W2
    h2 = jax.ops.segment_sum(m2, dst, num_segments=N) + b2
    h2 = _prelu(h2, alpha2)
    # GlobalSumPool over all nodes (single graph)
    pooled = jnp.sum(h2, axis=0)
    # Dense softmax head
    logits = pooled @ Wd + bd
    return jax.nn.softmax(logits)

if __name__ == "__main__":
    import jax
    _d = setup_inputs()
    print(jax.jit(kernel)(*tuple(_d.values())))

</pallas_src>

<mosaic_0001>
#map = affine_map<(d0, d1) -> (0)>
module attributes {stable_mosaic.version = 14 : i64} {
  func.func @body(%arg0: i32, %arg1: i32, %arg2: memref<2621440xf32, #tpu.memory_space<hbm>>, %arg3: memref<320000xi32, #tpu.memory_space<hbm>>, %arg4: memref<320000xi32, #tpu.memory_space<hbm>>, %arg5: memref<2621440xf32, #tpu.memory_space<hbm>>, %arg6: memref<40960xf32, #tpu.memory_space<vmem>>, %arg7: memref<40960xf32, #tpu.memory_space<vmem>>, %arg8: memref<2000xi32, #tpu.memory_space<vmem>>, %arg9: memref<2000xi32, #tpu.memory_space<vmem>>) attributes {dimension_semantics = [#tpu.dimension_semantics<core_parallel>, #tpu.dimension_semantics<subcore_parallel>], iteration_bounds = array<i64: 2, 16>, scalar_prefetch = 0 : i64, scratch_operands = 4 : i64, tpu.core_type = #tpu.core_type<sc_vector_subcore>, window_params = [{transform_indices = #map}, {transform_indices = #map}, {transform_indices = #map}, {transform_indices = #map}]} {
    %mul3A = arith.constant 2 : i32
    %mul3A_0 = arith.muli %arg1, %mul3A : i32
    %add3A = arith.addi %mul3A_0, %arg0 : i32
    %mul3A_1 = arith.constant 4 : i32
    %mul3A_2 = arith.muli %add3A, %mul3A_1 : i32
    %add3A_3 = arith.constant 0 : i32
    %add3A_4 = arith.addi %add3A_3, %mul3A_2 : i32
    %mul3A_5 = arith.constant 10240 : i32
    %mul3A_6 = arith.muli %add3A_4, %mul3A_5 : i32
    "tpu.region"() ({
      %run_scoped3A = tpu.sem_alloc : memref<!tpu.dma_semaphore, #tpu.memory_space<semaphore_mem>>
      %dma_start3A = tpu.memref_slice %arg2[%mul3A_6] : memref<2621440xf32, #tpu.memory_space<hbm>> -> memref<40960xf32, #tpu.memory_space<hbm>>
      %dma_start3A_40 = tpu.memref_slice %arg2[%mul3A_6] : memref<2621440xf32, #tpu.memory_space<hbm>> -> memref<40960xf32, #tpu.memory_space<hbm>>
      tpu.enqueue_dma source(%dma_start3A_40 : memref<40960xf32, #tpu.memory_space<hbm>>) target(%arg6 : memref<40960xf32, #tpu.memory_space<vmem>>) target_semaphore(%run_scoped3A : memref<!tpu.dma_semaphore, #tpu.memory_space<semaphore_mem>>)
      %dma_wait3A = tpu.memref_slice %arg2[%mul3A_6] : memref<2621440xf32, #tpu.memory_space<hbm>> -> memref<40960xf32, #tpu.memory_space<hbm>>
      %dma_wait3A_41 = tpu.memref_slice %arg2[%mul3A_6] : memref<2621440xf32, #tpu.memory_space<hbm>> -> memref<40960xf32, #tpu.memory_space<hbm>>
      tpu.wait_dma2 semaphore(%run_scoped3A : memref<!tpu.dma_semaphore, #tpu.memory_space<semaphore_mem>>) src(%dma_wait3A_41 : memref<40960xf32, #tpu.memory_space<hbm>>) dst(%arg6 : memref<40960xf32, #tpu.memory_space<vmem>>)
      tpu.yield
    }) : () -> ()
    %scan3A = arith.constant 0 : i32
    %scan3A_7 = arith.constant 0 : i32
    %scan3A_8 = arith.constant 2560 : i32
    %scan3A_9 = arith.addi %scan3A_7, %scan3A_8 : i32
    %scan3A_10 = arith.constant 1 : i32
    %scan3A_11 = scf.for %scan3A_40 = %scan3A_7 to %scan3A_9 step %scan3A_10 iter_args(%scan3A_41 = %scan3A) -> (i32)  : i32 {
      %broadcast_in_dim3A = arith.constant 0.000000e+00 : f32
      %broadcast_in_dim3A_42 = vector.broadcast %broadcast_in_dim3A : f32 to vector<16xf32>
      %mul3A_43 = arith.constant 16 : i32
      %mul3A_44 = arith.muli %scan3A_40, %mul3A_43 : i32
      %swap3A = arith.index_cast %mul3A_44 : i32 to index
      %swap3A_45 = tpu.vector_load %arg7[%swap3A] {strides = array<i32>} : memref<40960xf32, #tpu.memory_space<vmem>>, vector<16xf32>,
      tpu.vector_store %arg7[%swap3A], %broadcast_in_dim3A_42 {strides = array<i32>} : memref<40960xf32, #tpu.memory_space<vmem>>, vector<16xf32>,
      %scan3A_46 = arith.constant 0 : i32
      scf.yield %scan3A_46 : i32
    }
    %scan3A_12 = arith.constant 2560 : i32
    %scan3A_13 = arith.constant 0 : i32
    %scan3A_14 = arith.constant 0 : i32
    %scan3A_15 = arith.constant 160 : i32
    %scan3A_16 = arith.addi %scan3A_14, %scan3A_15 : i32
    %scan3A_17 = arith.constant 1 : i32
    %scan3A_18 = scf.for %scan3A_40 = %scan3A_14 to %scan3A_16 step %scan3A_17 iter_args(%scan3A_41 = %scan3A_13) -> (i32)  : i32 {
      %mul3A_42 = arith.constant 2000 : i32
      %mul3A_43 = arith.muli %scan3A_40, %mul3A_42 : i32
      "tpu.region"() ({
        %run_scoped3A = tpu.sem_alloc : memref<!tpu.dma_semaphore, #tpu.memory_space<semaphore_mem>>
        %dma_start3A = tpu.memref_slice %arg3[%mul3A_43] : memref<320000xi32, #tpu.memory_space<hbm>> -> memref<2000xi32, #tpu.memory_space<hbm>>
        %dma_start3A_54 = tpu.memref_slice %arg3[%mul3A_43] : memref<320000xi32, #tpu.memory_space<hbm>> -> memref<2000xi32, #tpu.memory_space<hbm>>
        tpu.enqueue_dma source(%dma_start3A_54 : memref<2000xi32, #tpu.memory_space<hbm>>) target(%arg8 : memref<2000xi32, #tpu.memory_space<vmem>>) target_semaphore(%run_scoped3A : memref<!tpu.dma_semaphore, #tpu.memory_space<semaphore_mem>>)
        %dma_wait3A = tpu.memref_slice %arg3[%mul3A_43] : memref<320000xi32, #tpu.memory_space<hbm>> -> memref<2000xi32, #tpu.memory_space<hbm>>
        %dma_wait3A_55 = tpu.memref_slice %arg3[%mul3A_43] : memref<320000xi32, #tpu.memory_space<hbm>> -> memref<2000xi32, #tpu.memory_space<hbm>>
        tpu.wait_dma2 semaphore(%run_scoped3A : memref<!tpu.dma_semaphore, #tpu.memory_space<semaphore_mem>>) src(%dma_wait3A_55 : memref<2000xi32, #tpu.memory_space<hbm>>) dst(%arg8 : memref<2000xi32, #tpu.memory_space<vmem>>)
        tpu.yield
      }) : () -> ()
      %mul3A_44 = arith.constant 2000 : i32
      %mul3A_45 = arith.muli %scan3A_40, %mul3A_44 : i32
      "tpu.region"() ({
        %run_scoped3A = tpu.sem_alloc : memref<!tpu.dma_semaphore, #tpu.memory_space<semaphore_mem>>
        %dma_start3A = tpu.memref_slice %arg4[%mul3A_45] : memref<320000xi32, #tpu.memory_space<hbm>> -> memref<2000xi32, #tpu.memory_space<hbm>>
        %dma_start3A_54 = tpu.memref_slice %arg4[%mul3A_45] : memref<320000xi32, #tpu.memory_space<hbm>> -> memref<2000xi32, #tpu.memory_space<hbm>>
        tpu.enqueue_dma source(%dma_start3A_54 : memref<2000xi32, #tpu.memory_space<hbm>>) target(%arg9 : memref<2000xi32, #tpu.memory_space<vmem>>) target_semaphore(%run_scoped3A : memref<!tpu.dma_semaphore, #tpu.memory_space<semaphore_mem>>)
        %dma_wait3A = tpu.memref_slice %arg4[%mul3A_45] : memref<320000xi32, #tpu.memory_space<hbm>> -> memref<2000xi32, #tpu.memory_space<hbm>>
        %dma_wait3A_55 = tpu.memref_slice %arg4[%mul3A_45] : memref<320000xi32, #tpu.memory_space<hbm>> -> memref<2000xi32, #tpu.memory_space<hbm>>
        tpu.wait_dma2 semaphore(%run_scoped3A : memref<!tpu.dma_semaphore, #tpu.memory_space<semaphore_mem>>) src(%dma_wait3A_55 : memref<2000xi32, #tpu.memory_space<hbm>>) dst(%arg9 : memref<2000xi32, #tpu.memory_space<vmem>>)
        tpu.yield
      }) : () -> ()
      %scan3A_46 = arith.constant 0 : i32
      %scan3A_47 = arith.constant 0 : i32
      %scan3A_48 = arith.constant 125 : i32
      %scan3A_49 = arith.addi %scan3A_47, %scan3A_48 : i32
      %scan3A_50 = arith.constant 1 : i32
      %scan3A_51 = scf.for %scan3A_54 = %scan3A_47 to %scan3A_49 step %scan3A_50 iter_args(%scan3A_55 = %scan3A_46) -> (i32)  : i32 {
        %mul3A_56 = arith.constant 16 : i32
        %mul3A_57 = arith.muli %scan3A_54, %mul3A_56 : i32
        %get3A = arith.index_cast %mul3A_57 : i32 to index
        %get3A_58 = tpu.vector_load %arg8[%get3A] {strides = array<i32>} : memref<2000xi32, #tpu.memory_space<vmem>>, vector<16xi32>,
        %mul3A_59 = arith.constant 16 : i32
        %mul3A_60 = arith.muli %scan3A_54, %mul3A_59 : i32
        %get3A_61 = arith.index_cast %mul3A_60 : i32 to index
        %get3A_62 = tpu.vector_load %arg9[%get3A_61] {strides = array<i32>} : memref<2000xi32, #tpu.memory_space<vmem>>, vector<16xi32>,
        %add3A_63 = arith.constant 0 : i32
        %add3A_64 = vector.broadcast %add3A_63 : i32 to vector<16xi32>
        %add3A_65 = arith.addi %get3A_58, %add3A_64 : vector<16xi32>
        %gather3A = tpu.vector_load_idx %arg6[%add3A_65] : memref<40960xf32, #tpu.memory_space<vmem>>[vector<16xi32>], vector<16xf32>,
        %add3A_66 = arith.constant 0 : i32
        %add3A_67 = vector.broadcast %add3A_66 : i32 to vector<16xi32>
        %add3A_68 = arith.addi %get3A_62, %add3A_67 : vector<16xi32>
        tpu.vector_store_idx %arg7[%add3A_68], %gather3A {add = true} : memref<40960xf32, #tpu.memory_space<vmem>>[vector<16xi32>], vector<16xf32>,
        %add3A_69 = arith.constant 10240 : i32
        %add3A_70 = vector.broadcast %add3A_69 : i32 to vector<16xi32>
        %add3A_71 = arith.addi %get3A_58, %add3A_70 : vector<16xi32>
        %gather3A_72 = tpu.vector_load_idx %arg6[%add3A_71] : memref<40960xf32, #tpu.memory_space<vmem>>[vector<16xi32>], vector<16xf32>,
        %add3A_73 = arith.constant 10240 : i32
        %add3A_74 = vector.broadcast %add3A_73 : i32 to vector<16xi32>
        %add3A_75 = arith.addi %get3A_62, %add3A_74 : vector<16xi32>
        tpu.vector_store_idx %arg7[%add3A_75], %gather3A_72 {add = true} : memref<40960xf32, #tpu.memory_space<vmem>>[vector<16xi32>], vector<16xf32>,
        %add3A_76 = arith.constant 20480 : i32
        %add3A_77 = vector.broadcast %add3A_76 : i32 to vector<16xi32>
        %add3A_78 = arith.addi %get3A_58, %add3A_77 : vector<16xi32>
        %gather3A_79 = tpu.vector_load_idx %arg6[%add3A_78] : memref<40960xf32, #tpu.memory_space<vmem>>[vector<16xi32>], vector<16xf32>,
        %add3A_80 = arith.constant 20480 : i32
        %add3A_81 = vector.broadcast %add3A_80 : i32 to vector<16xi32>
        %add3A_82 = arith.addi %get3A_62, %add3A_81 : vector<16xi32>
        tpu.vector_store_idx %arg7[%add3A_82], %gather3A_79 {add = true} : memref<40960xf32, #tpu.memory_space<vmem>>[vector<16xi32>], vector<16xf32>,
        %add3A_83 = arith.constant 30720 : i32
        %add3A_84 = vector.broadcast %add3A_83 : i32 to vector<16xi32>
        %add3A_85 = arith.addi %get3A_58, %add3A_84 : vector<16xi32>
        %gather3A_86 = tpu.vector_load_idx %arg6[%add3A_85] : memref<40960xf32, #tpu.memory_space<vmem>>[vector<16xi32>], vector<16xf32>,
        %add3A_87 = arith.constant 30720 : i32
        %add3A_88 = vector.broadcast %add3A_87 : i32 to vector<16xi32>
        %add3A_89 = arith.addi %get3A_62, %add3A_88 : vector<16xi32>
        tpu.vector_store_idx %arg7[%add3A_89], %gather3A_86 {add = true} : memref<40960xf32, #tpu.memory_space<vmem>>[vector<16xi32>], vector<16xf32>,
        %scan3A_90 = arith.constant 0 : i32
        scf.yield %scan3A_90 : i32
      }
      %scan3A_52 = arith.constant 125 : i32
      %scan3A_53 = arith.constant 0 : i32
      scf.yield %scan3A_53 : i32
    }
    %scan3A_19 = arith.constant 160 : i32
    "tpu.region"() ({
      %run_scoped3A = tpu.sem_alloc : memref<!tpu.dma_semaphore, #tpu.memory_space<semaphore_mem>>
      %dma_start3A = tpu.memref_slice %arg5[%mul3A_6] : memref<2621440xf32, #tpu.memory_space<hbm>> -> memref<40960xf32, #tpu.memory_space<hbm>>
      %dma_start3A_40 = tpu.memref_slice %arg5[%mul3A_6] : memref<2621440xf32, #tpu.memory_space<hbm>> -> memref<40960xf32, #tpu.memory_space<hbm>>
      tpu.enqueue_dma source(%arg7 : memref<40960xf32, #tpu.memory_space<vmem>>) target(%dma_start3A_40 : memref<40960xf32, #tpu.memory_space<hbm>>) target_semaphore(%run_scoped3A : memref<!tpu.dma_semaphore, #tpu.memory_space<semaphore_mem>>)
      %dma_wait3A = tpu.memref_slice %arg5[%mul3A_6] : memref<2621440xf32, #tpu.memory_space<hbm>> -> memref<40960xf32, #tpu.memory_space<hbm>>
      %dma_wait3A_41 = tpu.memref_slice %arg5[%mul3A_6] : memref<2621440xf32, #tpu.memory_space<hbm>> -> memref<40960xf32, #tpu.memory_space<hbm>>
      tpu.wait_dma2 semaphore(%run_scoped3A : memref<!tpu.dma_semaphore, #tpu.memory_space<semaphore_mem>>) src(%arg7 : memref<40960xf32, #tpu.memory_space<vmem>>) dst(%dma_wait3A_41 : memref<40960xf32, #tpu.memory_space<hbm>>)
      tpu.yield
    }) : () -> ()
    %mul3A_20 = arith.constant 4 : i32
    %mul3A_21 = arith.muli %add3A, %mul3A_20 : i32
    %add3A_22 = arith.constant 128 : i32
    %add3A_23 = arith.addi %add3A_22, %mul3A_21 : i32
    %mul3A_24 = arith.constant 10240 : i32
    %mul3A_25 = arith.muli %add3A_23, %mul3A_24 : i32
    "tpu.region"() ({
      %run_scoped3A = tpu.sem_alloc : memref<!tpu.dma_semaphore, #tpu.memory_space<semaphore_mem>>
      %dma_start3A = tpu.memref_slice %arg2[%mul3A_25] : memref<2621440xf32, #tpu.memory_space<hbm>> -> memref<40960xf32, #tpu.memory_space<hbm>>
      %dma_start3A_40 = tpu.memref_slice %arg2[%mul3A_25] : memref<2621440xf32, #tpu.memory_space<hbm>> -> memref<40960xf32, #tpu.memory_space<hbm>>
      tpu.enqueue_dma source(%dma_start3A_40 : memref<40960xf32, #tpu.memory_space<hbm>>) target(%arg6 : memref<40960xf32, #tpu.memory_space<vmem>>) target_semaphore(%run_scoped3A : memref<!tpu.dma_semaphore, #tpu.memory_space<semaphore_mem>>)
      %dma_wait3A = tpu.memref_slice %arg2[%mul3A_25] : memref<2621440xf32, #tpu.memory_space<hbm>> -> memref<40960xf32, #tpu.memory_space<hbm>>
      %dma_wait3A_41 = tpu.memref_slice %arg2[%mul3A_25] : memref<2621440xf32, #tpu.memory_space<hbm>> -> memref<40960xf32, #tpu.memory_space<hbm>>
      tpu.wait_dma2 semaphore(%run_scoped3A : memref<!tpu.dma_semaphore, #tpu.memory_space<semaphore_mem>>) src(%dma_wait3A_41 : memref<40960xf32, #tpu.memory_space<hbm>>) dst(%arg6 : memref<40960xf32, #tpu.memory_space<vmem>>)
      tpu.yield
    }) : () -> ()
    %scan3A_26 = arith.constant 0 : i32
    %scan3A_27 = arith.constant 0 : i32
    %scan3A_28 = arith.constant 2560 : i32
    %scan3A_29 = arith.addi %scan3A_27, %scan3A_28 : i32
    %scan3A_30 = arith.constant 1 : i32
    %scan3A_31 = scf.for %scan3A_40 = %scan3A_27 to %scan3A_29 step %scan3A_30 iter_args(%scan3A_41 = %scan3A_26) -> (i32)  : i32 {
      %broadcast_in_dim3A = arith.constant 0.000000e+00 : f32
      %broadcast_in_dim3A_42 = vector.broadcast %broadcast_in_dim3A : f32 to vector<16xf32>
      %mul3A_43 = arith.constant 16 : i32
      %mul3A_44 = arith.muli %scan3A_40, %mul3A_43 : i32
      %swap3A = arith.index_cast %mul3A_44 : i32 to index
      %swap3A_45 = tpu.vector_load %arg7[%swap3A] {strides = array<i32>} : memref<40960xf32, #tpu.memory_space<vmem>>, vector<16xf32>,
      tpu.vector_store %arg7[%swap3A], %broadcast_in_dim3A_42 {strides = array<i32>} : memref<40960xf32, #tpu.memory_space<vmem>>, vector<16xf32>,
      %scan3A_46 = arith.constant 0 : i32
      scf.yield %scan3A_46 : i32
    }
    %scan3A_32 = arith.constant 2560 : i32
    %scan3A_33 = arith.constant 0 : i32
    %scan3A_34 = arith.constant 0 : i32
    %scan3A_35 = arith.constant 160 : i32
    %scan3A_36 = arith.addi %scan3A_34, %scan3A_35 : i32
    %scan3A_37 = arith.constant 1 : i32
    %scan3A_38 = scf.for %scan3A_40 = %scan3A_34 to %scan3A_36 step %scan3A_37 iter_args(%scan3A_41 = %scan3A_33) -> (i32)  : i32 {
      %mul3A_42 = arith.constant 2000 : i32
      %mul3A_43 = arith.muli %scan3A_40, %mul3A_42 : i32
      "tpu.region"() ({
        %run_scoped3A = tpu.sem_alloc : memref<!tpu.dma_semaphore, #tpu.memory_space<semaphore_mem>>
        %dma_start3A = tpu.memref_slice %arg3[%mul3A_43] : memref<320000xi32, #tpu.memory_space<hbm>> -> memref<2000xi32, #tpu.memory_space<hbm>>
        %dma_start3A_54 = tpu.memref_slice %arg3[%mul3A_43] : memref<320000xi32, #tpu.memory_space<hbm>> -> memref<2000xi32, #tpu.memory_space<hbm>>
        tpu.enqueue_dma source(%dma_start3A_54 : memref<2000xi32, #tpu.memory_space<hbm>>) target(%arg8 : memref<2000xi32, #tpu.memory_space<vmem>>) target_semaphore(%run_scoped3A : memref<!tpu.dma_semaphore, #tpu.memory_space<semaphore_mem>>)
        %dma_wait3A = tpu.memref_slice %arg3[%mul3A_43] : memref<320000xi32, #tpu.memory_space<hbm>> -> memref<2000xi32, #tpu.memory_space<hbm>>
        %dma_wait3A_55 = tpu.memref_slice %arg3[%mul3A_43] : memref<320000xi32, #tpu.memory_space<hbm>> -> memref<2000xi32, #tpu.memory_space<hbm>>
        tpu.wait_dma2 semaphore(%run_scoped3A : memref<!tpu.dma_semaphore, #tpu.memory_space<semaphore_mem>>) src(%dma_wait3A_55 : memref<2000xi32, #tpu.memory_space<hbm>>) dst(%arg8 : memref<2000xi32, #tpu.memory_space<vmem>>)
        tpu.yield
      }) : () -> ()
      %mul3A_44 = arith.constant 2000 : i32
      %mul3A_45 = arith.muli %scan3A_40, %mul3A_44 : i32
      "tpu.region"() ({
        %run_scoped3A = tpu.sem_alloc : memref<!tpu.dma_semaphore, #tpu.memory_space<semaphore_mem>>
        %dma_start3A = tpu.memref_slice %arg4[%mul3A_45] : memref<320000xi32, #tpu.memory_space<hbm>> -> memref<2000xi32, #tpu.memory_space<hbm>>
        %dma_start3A_54 = tpu.memref_slice %arg4[%mul3A_45] : memref<320000xi32, #tpu.memory_space<hbm>> -> memref<2000xi32, #tpu.memory_space<hbm>>
        tpu.enqueue_dma source(%dma_start3A_54 : memref<2000xi32, #tpu.memory_space<hbm>>) target(%arg9 : memref<2000xi32, #tpu.memory_space<vmem>>) target_semaphore(%run_scoped3A : memref<!tpu.dma_semaphore, #tpu.memory_space<semaphore_mem>>)
        %dma_wait3A = tpu.memref_slice %arg4[%mul3A_45] : memref<320000xi32, #tpu.memory_space<hbm>> -> memref<2000xi32, #tpu.memory_space<hbm>>
        %dma_wait3A_55 = tpu.memref_slice %arg4[%mul3A_45] : memref<320000xi32, #tpu.memory_space<hbm>> -> memref<2000xi32, #tpu.memory_space<hbm>>
        tpu.wait_dma2 semaphore(%run_scoped3A : memref<!tpu.dma_semaphore, #tpu.memory_space<semaphore_mem>>) src(%dma_wait3A_55 : memref<2000xi32, #tpu.memory_space<hbm>>) dst(%arg9 : memref<2000xi32, #tpu.memory_space<vmem>>)
        tpu.yield
      }) : () -> ()
      %scan3A_46 = arith.constant 0 : i32
      %scan3A_47 = arith.constant 0 : i32
      %scan3A_48 = arith.constant 125 : i32
      %scan3A_49 = arith.addi %scan3A_47, %scan3A_48 : i32
      %scan3A_50 = arith.constant 1 : i32
      %scan3A_51 = scf.for %scan3A_54 = %scan3A_47 to %scan3A_49 step %scan3A_50 iter_args(%scan3A_55 = %scan3A_46) -> (i32)  : i32 {
        %mul3A_56 = arith.constant 16 : i32
        %mul3A_57 = arith.muli %scan3A_54, %mul3A_56 : i32
        %get3A = arith.index_cast %mul3A_57 : i32 to index
        %get3A_58 = tpu.vector_load %arg8[%get3A] {strides = array<i32>} : memref<2000xi32, #tpu.memory_space<vmem>>, vector<16xi32>,
        %mul3A_59 = arith.constant 16 : i32
        %mul3A_60 = arith.muli %scan3A_54, %mul3A_59 : i32
        %get3A_61 = arith.index_cast %mul3A_60 : i32 to index
        %get3A_62 = tpu.vector_load %arg9[%get3A_61] {strides = array<i32>} : memref<2000xi32, #tpu.memory_space<vmem>>, vector<16xi32>,
        %add3A_63 = arith.constant 0 : i32
        %add3A_64 = vector.broadcast %add3A_63 : i32 to vector<16xi32>
        %add3A_65 = arith.addi %get3A_58, %add3A_64 : vector<16xi32>
        %gather3A = tpu.vector_load_idx %arg6[%add3A_65] : memref<40960xf32, #tpu.memory_space<vmem>>[vector<16xi32>], vector<16xf32>,
        %add3A_66 = arith.constant 0 : i32
        %add3A_67 = vector.broadcast %add3A_66 : i32 to vector<16xi32>
        %add3A_68 = arith.addi %get3A_62, %add3A_67 : vector<16xi32>
        tpu.vector_store_idx %arg7[%add3A_68], %gather3A {add = true} : memref<40960xf32, #tpu.memory_space<vmem>>[vector<16xi32>], vector<16xf32>,
        %add3A_69 = arith.constant 10240 : i32
        %add3A_70 = vector.broadcast %add3A_69 : i32 to vector<16xi32>
        %add3A_71 = arith.addi %get3A_58, %add3A_70 : vector<16xi32>
        %gather3A_72 = tpu.vector_load_idx %arg6[%add3A_71] : memref<40960xf32, #tpu.memory_space<vmem>>[vector<16xi32>], vector<16xf32>,
        %add3A_73 = arith.constant 10240 : i32
        %add3A_74 = vector.broadcast %add3A_73 : i32 to vector<16xi32>
        %add3A_75 = arith.addi %get3A_62, %add3A_74 : vector<16xi32>
        tpu.vector_store_idx %arg7[%add3A_75], %gather3A_72 {add = true} : memref<40960xf32, #tpu.memory_space<vmem>>[vector<16xi32>], vector<16xf32>,
        %add3A_76 = arith.constant 20480 : i32
        %add3A_77 = vector.broadcast %add3A_76 : i32 to vector<16xi32>
        %add3A_78 = arith.addi %get3A_58, %add3A_77 : vector<16xi32>
        %gather3A_79 = tpu.vector_load_idx %arg6[%add3A_78] : memref<40960xf32, #tpu.memory_space<vmem>>[vector<16xi32>], vector<16xf32>,
        %add3A_80 = arith.constant 20480 : i32
        %add3A_81 = vector.broadcast %add3A_80 : i32 to vector<16xi32>
        %add3A_82 = arith.addi %get3A_62, %add3A_81 : vector<16xi32>
        tpu.vector_store_idx %arg7[%add3A_82], %gather3A_79 {add = true} : memref<40960xf32, #tpu.memory_space<vmem>>[vector<16xi32>], vector<16xf32>,
        %add3A_83 = arith.constant 30720 : i32
        %add3A_84 = vector.broadcast %add3A_83 : i32 to vector<16xi32>
        %add3A_85 = arith.addi %get3A_58, %add3A_84 : vector<16xi32>
        %gather3A_86 = tpu.vector_load_idx %arg6[%add3A_85] : memref<40960xf32, #tpu.memory_space<vmem>>[vector<16xi32>], vector<16xf32>,
        %add3A_87 = arith.constant 30720 : i32
        %add3A_88 = vector.broadcast %add3A_87 : i32 to vector<16xi32>
        %add3A_89 = arith.addi %get3A_62, %add3A_88 : vector<16xi32>
        tpu.vector_store_idx %arg7[%add3A_89], %gather3A_86 {add = true} : memref<40960xf32, #tpu.memory_space<vmem>>[vector<16xi32>], vector<16xf32>,
        %scan3A_90 = arith.constant 0 : i32
        scf.yield %scan3A_90 : i32
      }
      %scan3A_52 = arith.constant 125 : i32
      %scan3A_53 = arith.constant 0 : i32
      scf.yield %scan3A_53 : i32
    }
    %scan3A_39 = arith.constant 160 : i32
    "tpu.region"() ({
      %run_scoped3A = tpu.sem_alloc : memref<!tpu.dma_semaphore, #tpu.memory_space<semaphore_mem>>
      %dma_start3A = tpu.memref_slice %arg5[%mul3A_25] : memref<2621440xf32, #tpu.memory_space<hbm>> -> memref<40960xf32, #tpu.memory_space<hbm>>
      %dma_start3A_40 = tpu.memref_slice %arg5[%mul3A_25] : memref<2621440xf32, #tpu.memory_space<hbm>> -> memref<40960xf32, #tpu.memory_space<hbm>>
      tpu.enqueue_dma source(%arg7 : memref<40960xf32, #tpu.memory_space<vmem>>) target(%dma_start3A_40 : memref<40960xf32, #tpu.memory_space<hbm>>) target_semaphore(%run_scoped3A : memref<!tpu.dma_semaphore, #tpu.memory_space<semaphore_mem>>)
      %dma_wait3A = tpu.memref_slice %arg5[%mul3A_25] : memref<2621440xf32, #tpu.memory_space<hbm>> -> memref<40960xf32, #tpu.memory_space<hbm>>
      %dma_wait3A_41 = tpu.memref_slice %arg5[%mul3A_25] : memref<2621440xf32, #tpu.memory_space<hbm>> -> memref<40960xf32, #tpu.memory_space<hbm>>
      tpu.wait_dma2 semaphore(%run_scoped3A : memref<!tpu.dma_semaphore, #tpu.memory_space<semaphore_mem>>) src(%arg7 : memref<40960xf32, #tpu.memory_space<vmem>>) dst(%dma_wait3A_41 : memref<40960xf32, #tpu.memory_space<hbm>>)
      tpu.yield
    }) : () -> ()
    return
  }
}

#map = affine_map<(d0, d1) -> (0)>
module attributes {stable_mosaic.version = 14 : i64} {
  func.func @body(%arg0: i32, %arg1: i32, %arg2: memref<1310720xf32, #tpu.memory_space<hbm>>, %arg3: memref<320000xi32, #tpu.memory_space<hbm>>, %arg4: memref<320000xi32, #tpu.memory_space<hbm>>, %arg5: memref<1310720xf32, #tpu.memory_space<hbm>>, %arg6: memref<40960xf32, #tpu.memory_space<vmem>>, %arg7: memref<40960xf32, #tpu.memory_space<vmem>>, %arg8: memref<2000xi32, #tpu.memory_space<vmem>>, %arg9: memref<2000xi32, #tpu.memory_space<vmem>>) attributes {dimension_semantics = [#tpu.dimension_semantics<core_parallel>, #tpu.dimension_semantics<subcore_parallel>], iteration_bounds = array<i64: 2, 16>, scalar_prefetch = 0 : i64, scratch_operands = 4 : i64, tpu.core_type = #tpu.core_type<sc_vector_subcore>, window_params = [{transform_indices = #map}, {transform_indices = #map}, {transform_indices = #map}, {transform_indices = #map}]} {
    %mul3A = arith.constant 2 : i32
    %mul3A_0 = arith.muli %arg1, %mul3A : i32
    %add3A = arith.addi %mul3A_0, %arg0 : i32
    %mul3A_1 = arith.constant 4 : i32
    %mul3A_2 = arith.muli %add3A, %mul3A_1 : i32
    %add3A_3 = arith.constant 0 : i32
    %add3A_4 = arith.addi %add3A_3, %mul3A_2 : i32
    %mul3A_5 = arith.constant 10240 : i32
    %mul3A_6 = arith.muli %add3A_4, %mul3A_5 : i32
    "tpu.region"() ({
      %run_scoped3A = tpu.sem_alloc : memref<!tpu.dma_semaphore, #tpu.memory_space<semaphore_mem>>
      %dma_start3A = tpu.memref_slice %arg2[%mul3A_6] : memref<1310720xf32, #tpu.memory_space<hbm>> -> memref<40960xf32, #tpu.memory_space<hbm>>
      %dma_start3A_20 = tpu.memref_slice %arg2[%mul3A_6] : memref<1310720xf32, #tpu.memory_space<hbm>> -> memref<40960xf32, #tpu.memory_space<hbm>>
      tpu.enqueue_dma source(%dma_start3A_20 : memref<40960xf32, #tpu.memory_space<hbm>>) target(%arg6 : memref<40960xf32, #tpu.memory_space<vmem>>) target_semaphore(%run_scoped3A : memref<!tpu.dma_semaphore, #tpu.memory_space<semaphore_mem>>)
      %dma_wait3A = tpu.memref_slice %arg2[%mul3A_6] : memref<1310720xf32, #tpu.memory_space<hbm>> -> memref<40960xf32, #tpu.memory_space<hbm>>
      %dma_wait3A_21 = tpu.memref_slice %arg2[%mul3A_6] : memref<1310720xf32, #tpu.memory_space<hbm>> -> memref<40960xf32, #tpu.memory_space<hbm>>
      tpu.wait_dma2 semaphore(%run_scoped3A : memref<!tpu.dma_semaphore, #tpu.memory_space<semaphore_mem>>) src(%dma_wait3A_21 : memref<40960xf32, #tpu.memory_space<hbm>>) dst(%arg6 : memref<40960xf32, #tpu.memory_space<vmem>>)
      tpu.yield
    }) : () -> ()
    %scan3A = arith.constant 0 : i32
    %scan3A_7 = arith.constant 0 : i32
    %scan3A_8 = arith.constant 2560 : i32
    %scan3A_9 = arith.addi %scan3A_7, %scan3A_8 : i32
    %scan3A_10 = arith.constant 1 : i32
    %scan3A_11 = scf.for %scan3A_20 = %scan3A_7 to %scan3A_9 step %scan3A_10 iter_args(%scan3A_21 = %scan3A) -> (i32)  : i32 {
      %broadcast_in_dim3A = arith.constant 0.000000e+00 : f32
      %broadcast_in_dim3A_22 = vector.broadcast %broadcast_in_dim3A : f32 to vector<16xf32>
      %mul3A_23 = arith.constant 16 : i32
      %mul3A_24 = arith.muli %scan3A_20, %mul3A_23 : i32
      %swap3A = arith.index_cast %mul3A_24 : i32 to index
      %swap3A_25 = tpu.vector_load %arg7[%swap3A] {strides = array<i32>} : memref<40960xf32, #tpu.memory_space<vmem>>, vector<16xf32>,
      tpu.vector_store %arg7[%swap3A], %broadcast_in_dim3A_22 {strides = array<i32>} : memref<40960xf32, #tpu.memory_space<vmem>>, vector<16xf32>,
      %scan3A_26 = arith.constant 0 : i32
      scf.yield %scan3A_26 : i32
    }
    %scan3A_12 = arith.constant 2560 : i32
    %scan3A_13 = arith.constant 0 : i32
    %scan3A_14 = arith.constant 0 : i32
    %scan3A_15 = arith.constant 160 : i32
    %scan3A_16 = arith.addi %scan3A_14, %scan3A_15 : i32
    %scan3A_17 = arith.constant 1 : i32
    %scan3A_18 = scf.for %scan3A_20 = %scan3A_14 to %scan3A_16 step %scan3A_17 iter_args(%scan3A_21 = %scan3A_13) -> (i32)  : i32 {
      %mul3A_22 = arith.constant 2000 : i32
      %mul3A_23 = arith.muli %scan3A_20, %mul3A_22 : i32
      "tpu.region"() ({
        %run_scoped3A = tpu.sem_alloc : memref<!tpu.dma_semaphore, #tpu.memory_space<semaphore_mem>>
        %dma_start3A = tpu.memref_slice %arg3[%mul3A_23] : memref<320000xi32, #tpu.memory_space<hbm>> -> memref<2000xi32, #tpu.memory_space<hbm>>
        %dma_start3A_34 = tpu.memref_slice %arg3[%mul3A_23] : memref<320000xi32, #tpu.memory_space<hbm>> -> memref<2000xi32, #tpu.memory_space<hbm>>
        tpu.enqueue_dma source(%dma_start3A_34 : memref<2000xi32, #tpu.memory_space<hbm>>) target(%arg8 : memref<2000xi32, #tpu.memory_space<vmem>>) target_semaphore(%run_scoped3A : memref<!tpu.dma_semaphore, #tpu.memory_space<semaphore_mem>>)
        %dma_wait3A = tpu.memref_slice %arg3[%mul3A_23] : memref<320000xi32, #tpu.memory_space<hbm>> -> memref<2000xi32, #tpu.memory_space<hbm>>
        %dma_wait3A_35 = tpu.memref_slice %arg3[%mul3A_23] : memref<320000xi32, #tpu.memory_space<hbm>> -> memref<2000xi32, #tpu.memory_space<hbm>>
        tpu.wait_dma2 semaphore(%run_scoped3A : memref<!tpu.dma_semaphore, #tpu.memory_space<semaphore_mem>>) src(%dma_wait3A_35 : memref<2000xi32, #tpu.memory_space<hbm>>) dst(%arg8 : memref<2000xi32, #tpu.memory_space<vmem>>)
        tpu.yield
      }) : () -> ()
      %mul3A_24 = arith.constant 2000 : i32
      %mul3A_25 = arith.muli %scan3A_20, %mul3A_24 : i32
      "tpu.region"() ({
        %run_scoped3A = tpu.sem_alloc : memref<!tpu.dma_semaphore, #tpu.memory_space<semaphore_mem>>
        %dma_start3A = tpu.memref_slice %arg4[%mul3A_25] : memref<320000xi32, #tpu.memory_space<hbm>> -> memref<2000xi32, #tpu.memory_space<hbm>>
        %dma_start3A_34 = tpu.memref_slice %arg4[%mul3A_25] : memref<320000xi32, #tpu.memory_space<hbm>> -> memref<2000xi32, #tpu.memory_space<hbm>>
        tpu.enqueue_dma source(%dma_start3A_34 : memref<2000xi32, #tpu.memory_space<hbm>>) target(%arg9 : memref<2000xi32, #tpu.memory_space<vmem>>) target_semaphore(%run_scoped3A : memref<!tpu.dma_semaphore, #tpu.memory_space<semaphore_mem>>)
        %dma_wait3A = tpu.memref_slice %arg4[%mul3A_25] : memref<320000xi32, #tpu.memory_space<hbm>> -> memref<2000xi32, #tpu.memory_space<hbm>>
        %dma_wait3A_35 = tpu.memref_slice %arg4[%mul3A_25] : memref<320000xi32, #tpu.memory_space<hbm>> -> memref<2000xi32, #tpu.memory_space<hbm>>
        tpu.wait_dma2 semaphore(%run_scoped3A : memref<!tpu.dma_semaphore, #tpu.memory_space<semaphore_mem>>) src(%dma_wait3A_35 : memref<2000xi32, #tpu.memory_space<hbm>>) dst(%arg9 : memref<2000xi32, #tpu.memory_space<vmem>>)
        tpu.yield
      }) : () -> ()
      %scan3A_26 = arith.constant 0 : i32
      %scan3A_27 = arith.constant 0 : i32
      %scan3A_28 = arith.constant 125 : i32
      %scan3A_29 = arith.addi %scan3A_27, %scan3A_28 : i32
      %scan3A_30 = arith.constant 1 : i32
      %scan3A_31 = scf.for %scan3A_34 = %scan3A_27 to %scan3A_29 step %scan3A_30 iter_args(%scan3A_35 = %scan3A_26) -> (i32)  : i32 {
        %mul3A_36 = arith.constant 16 : i32
        %mul3A_37 = arith.muli %scan3A_34, %mul3A_36 : i32
        %get3A = arith.index_cast %mul3A_37 : i32 to index
        %get3A_38 = tpu.vector_load %arg8[%get3A] {strides = array<i32>} : memref<2000xi32, #tpu.memory_space<vmem>>, vector<16xi32>,
        %mul3A_39 = arith.constant 16 : i32
        %mul3A_40 = arith.muli %scan3A_34, %mul3A_39 : i32
        %get3A_41 = arith.index_cast %mul3A_40 : i32 to index
        %get3A_42 = tpu.vector_load %arg9[%get3A_41] {strides = array<i32>} : memref<2000xi32, #tpu.memory_space<vmem>>, vector<16xi32>,
        %add3A_43 = arith.constant 0 : i32
        %add3A_44 = vector.broadcast %add3A_43 : i32 to vector<16xi32>
        %add3A_45 = arith.addi %get3A_38, %add3A_44 : vector<16xi32>
        %gather3A = tpu.vector_load_idx %arg6[%add3A_45] : memref<40960xf32, #tpu.memory_space<vmem>>[vector<16xi32>], vector<16xf32>,
        %add3A_46 = arith.constant 0 : i32
        %add3A_47 = vector.broadcast %add3A_46 : i32 to vector<16xi32>
        %add3A_48 = arith.addi %get3A_42, %add3A_47 : vector<16xi32>
        tpu.vector_store_idx %arg7[%add3A_48], %gather3A {add = true} : memref<40960xf32, #tpu.memory_space<vmem>>[vector<16xi32>], vector<16xf32>,
        %add3A_49 = arith.constant 10240 : i32
        %add3A_50 = vector.broadcast %add3A_49 : i32 to vector<16xi32>
        %add3A_51 = arith.addi %get3A_38, %add3A_50 : vector<16xi32>
        %gather3A_52 = tpu.vector_load_idx %arg6[%add3A_51] : memref<40960xf32, #tpu.memory_space<vmem>>[vector<16xi32>], vector<16xf32>,
        %add3A_53 = arith.constant 10240 : i32
        %add3A_54 = vector.broadcast %add3A_53 : i32 to vector<16xi32>
        %add3A_55 = arith.addi %get3A_42, %add3A_54 : vector<16xi32>
        tpu.vector_store_idx %arg7[%add3A_55], %gather3A_52 {add = true} : memref<40960xf32, #tpu.memory_space<vmem>>[vector<16xi32>], vector<16xf32>,
        %add3A_56 = arith.constant 20480 : i32
        %add3A_57 = vector.broadcast %add3A_56 : i32 to vector<16xi32>
        %add3A_58 = arith.addi %get3A_38, %add3A_57 : vector<16xi32>
        %gather3A_59 = tpu.vector_load_idx %arg6[%add3A_58] : memref<40960xf32, #tpu.memory_space<vmem>>[vector<16xi32>], vector<16xf32>,
        %add3A_60 = arith.constant 20480 : i32
        %add3A_61 = vector.broadcast %add3A_60 : i32 to vector<16xi32>
        %add3A_62 = arith.addi %get3A_42, %add3A_61 : vector<16xi32>
        tpu.vector_store_idx %arg7[%add3A_62], %gather3A_59 {add = true} : memref<40960xf32, #tpu.memory_space<vmem>>[vector<16xi32>], vector<16xf32>,
        %add3A_63 = arith.constant 30720 : i32
        %add3A_64 = vector.broadcast %add3A_63 : i32 to vector<16xi32>
        %add3A_65 = arith.addi %get3A_38, %add3A_64 : vector<16xi32>
        %gather3A_66 = tpu.vector_load_idx %arg6[%add3A_65] : memref<40960xf32, #tpu.memory_space<vmem>>[vector<16xi32>], vector<16xf32>,
        %add3A_67 = arith.constant 30720 : i32
        %add3A_68 = vector.broadcast %add3A_67 : i32 to vector<16xi32>
        %add3A_69 = arith.addi %get3A_42, %add3A_68 : vector<16xi32>
        tpu.vector_store_idx %arg7[%add3A_69], %gather3A_66 {add = true} : memref<40960xf32, #tpu.memory_space<vmem>>[vector<16xi32>], vector<16xf32>,
        %scan3A_70 = arith.constant 0 : i32
        scf.yield %scan3A_70 : i32
      }
      %scan3A_32 = arith.constant 125 : i32
      %scan3A_33 = arith.constant 0 : i32
      scf.yield %scan3A_33 : i32
    }
    %scan3A_19 = arith.constant 160 : i32
    "tpu.region"() ({
      %run_scoped3A = tpu.sem_alloc : memref<!tpu.dma_semaphore, #tpu.memory_space<semaphore_mem>>
      %dma_start3A = tpu.memref_slice %arg5[%mul3A_6] : memref<1310720xf32, #tpu.memory_space<hbm>> -> memref<40960xf32, #tpu.memory_space<hbm>>
      %dma_start3A_20 = tpu.memref_slice %arg5[%mul3A_6] : memref<1310720xf32, #tpu.memory_space<hbm>> -> memref<40960xf32, #tpu.memory_space<hbm>>
      tpu.enqueue_dma source(%arg7 : memref<40960xf32, #tpu.memory_space<vmem>>) target(%dma_start3A_20 : memref<40960xf32, #tpu.memory_space<hbm>>) target_semaphore(%run_scoped3A : memref<!tpu.dma_semaphore, #tpu.memory_space<semaphore_mem>>)
      %dma_wait3A = tpu.memref_slice %arg5[%mul3A_6] : memref<1310720xf32, #tpu.memory_space<hbm>> -> memref<40960xf32, #tpu.memory_space<hbm>>
      %dma_wait3A_21 = tpu.memref_slice %arg5[%mul3A_6] : memref<1310720xf32, #tpu.memory_space<hbm>> -> memref<40960xf32, #tpu.memory_space<hbm>>
      tpu.wait_dma2 semaphore(%run_scoped3A : memref<!tpu.dma_semaphore, #tpu.memory_space<semaphore_mem>>) src(%arg7 : memref<40960xf32, #tpu.memory_space<vmem>>) dst(%dma_wait3A_21 : memref<40960xf32, #tpu.memory_space<hbm>>)
      tpu.yield
    }) : () -> ()
    return
  }
}

module attributes {stable_mosaic.version = 14 : i64} {
  func.func @body(%arg0: i32, %arg1: memref<128x2048xf32, #tpu.memory_space<vmem>>, %arg2: memref<256x128xf32, #tpu.memory_space<vmem>>, %arg3: memref<256x1xf32, #tpu.memory_space<vmem>>, %arg4: memref<256x1xf32, #tpu.memory_space<vmem>>, %arg5: memref<256x2048xf32, #tpu.memory_space<vmem>>) attributes {dimension_semantics = [#tpu.dimension_semantics<arbitrary>], iteration_bounds = array<i64: 5>, scalar_prefetch = 0 : i64, scratch_operands = 0 : i64, tpu.core_type = #tpu.core_type<tc>, window_params = [{transform_indices = @transform_0, window_bounds = array<i64: 128, 2048>}, {pipeline_mode = #tpu.pipeline_mode<synchronous>, transform_indices = @transform_1, window_bounds = array<i64: 256, 128>}, {pipeline_mode = #tpu.pipeline_mode<synchronous>, transform_indices = @transform_2, window_bounds = array<i64: 256, 1>}, {pipeline_mode = #tpu.pipeline_mode<synchronous>, transform_indices = @transform_3, window_bounds = array<i64: 256, 1>}, {transform_indices = @transform_4, window_bounds = array<i64: 256, 2048>}]} {
    %get3A = arith.constant 0 : index
    %get3A_0 = arith.constant 0 : index
    %get3A_1 = vector.load %arg2[%get3A, %get3A_0] : memref<256x128xf32, #tpu.memory_space<vmem>>, vector<256x128xf32>
    %get3A_2 = arith.constant 0 : index
    %get3A_3 = arith.constant 0 : index
    %get3A_4 = vector.load %arg1[%get3A_2, %get3A_3] : memref<128x2048xf32, #tpu.memory_space<vmem>>, vector<128x2048xf32>
    %dot_general3A = arith.constant dense<0.000000e+00> : vector<256x2048xf32>
    %dot_general3A_5 = tpu.matmul %get3A_1, %get3A_4, %dot_general3A {dimension_numbers = #tpu.dot_dimension_numbers<[1], [0], [0], [1], [0, 0, 1, 1], [], []>, transpose_lhs_hint = false} : vector<256x128xf32>, vector<128x2048xf32>, vector<256x2048xf32> -> vector<256x2048xf32>
    %get3A_6 = arith.constant 0 : index
    %get3A_7 = arith.constant 0 : index
    %get3A_8 = vector.load %arg3[%get3A_6, %get3A_7] : memref<256x1xf32, #tpu.memory_space<vmem>>, vector<256x1xf32>
    %add3A = vector.broadcast %get3A_8 : vector<256x1xf32> to vector<256x2048xf32>
    %add3A_9 = arith.addf %dot_general3A_5, %add3A : vector<256x2048xf32>
    %ge3A = arith.constant 0.000000e+00 : f32
    %ge3A_10 = vector.broadcast %ge3A : f32 to vector<256x2048xf32>
    %ge3A_11 = arith.cmpf oge, %add3A_9, %ge3A_10 : vector<256x2048xf32>
    %get3A_12 = arith.constant 0 : index
    %get3A_13 = arith.constant 0 : index
    %get3A_14 = vector.load %arg4[%get3A_12, %get3A_13] : memref<256x1xf32, #tpu.memory_space<vmem>>, vector<256x1xf32>
    %mul3A = vector.broadcast %get3A_14 : vector<256x1xf32> to vector<256x2048xf32>
    %mul3A_15 = arith.mulf %mul3A, %add3A_9 : vector<256x2048xf32>
    %select_n3A = arith.select %ge3A_11, %add3A_9, %mul3A_15 : vector<256x2048xi1>, vector<256x2048xf32>
    %swap3A = arith.constant 0 : index
    %swap3A_16 = arith.constant 0 : index
    %swap3A_17 = vector.load %arg5[%swap3A, %swap3A_16] : memref<256x2048xf32, #tpu.memory_space<vmem>>, vector<256x2048xf32>
    tpu.vector_store %arg5[%swap3A, %swap3A_16], %select_n3A {strides = array<i32>} : memref<256x2048xf32, #tpu.memory_space<vmem>>, vector<256x2048xf32>,
    return
  }
  func.func @transform_0(%arg0: i32) -> (i32, i32) {
    %c0_i32 = arith.constant 0 : i32
    %c0_i32_0 = arith.constant 0 : i32
    return %c0_i32, %arg0 : i32, i32
  }
  func.func @transform_1(%arg0: i32) -> (i32, i32) {
    %c0_i32 = arith.constant 0 : i32
    %c0_i32_0 = arith.constant 0 : i32
    %c0_i32_1 = arith.constant 0 : i32
    return %c0_i32, %c0_i32_0 : i32, i32
  }
  func.func @transform_2(%arg0: i32) -> (i32, i32) {
    %c0_i32 = arith.constant 0 : i32
    %c0_i32_0 = arith.constant 0 : i32
    %c0_i32_1 = arith.constant 0 : i32
    return %c0_i32, %c0_i32_0 : i32, i32
  }
  func.func @transform_3(%arg0: i32) -> (i32, i32) {
    %c0_i32 = arith.constant 0 : i32
    %c0_i32_0 = arith.constant 0 : i32
    %c0_i32_1 = arith.constant 0 : i32
    return %c0_i32, %c0_i32_0 : i32, i32
  }
  func.func @transform_4(%arg0: i32) -> (i32, i32) {
    %c0_i32 = arith.constant 0 : i32
    %c0_i32_0 = arith.constant 0 : i32
    return %c0_i32, %arg0 : i32, i32
  }
}

module attributes {stable_mosaic.version = 14 : i64} {
  func.func @body(%arg0: i32, %arg1: memref<256x2048xf32, #tpu.memory_space<vmem>>, %arg2: memref<256x256xf32, #tpu.memory_space<vmem>>, %arg3: memref<256x1xf32, #tpu.memory_space<vmem>>, %arg4: memref<256x1xf32, #tpu.memory_space<vmem>>, %arg5: memref<256x16xf32, #tpu.memory_space<vmem>>, %arg6: memref<1x16xf32, #tpu.memory_space<vmem>>, %arg7: memref<1x16xf32, #tpu.memory_space<vmem>>, %arg8: memref<256x1xf32, #tpu.memory_space<vmem>>) attributes {dimension_semantics = [#tpu.dimension_semantics<arbitrary>], iteration_bounds = array<i64: 5>, scalar_prefetch = 0 : i64, scratch_operands = 1 : i64, tpu.core_type = #tpu.core_type<tc>, window_params = [{transform_indices = @transform_0, window_bounds = array<i64: 256, 2048>}, {pipeline_mode = #tpu.pipeline_mode<synchronous>, transform_indices = @transform_1, window_bounds = array<i64: 256, 256>}, {pipeline_mode = #tpu.pipeline_mode<synchronous>, transform_indices = @transform_2, window_bounds = array<i64: 256, 1>}, {pipeline_mode = #tpu.pipeline_mode<synchronous>, transform_indices = @transform_3, window_bounds = array<i64: 256, 1>}, {pipeline_mode = #tpu.pipeline_mode<synchronous>, transform_indices = @transform_4, window_bounds = array<i64: 256, 16>}, {pipeline_mode = #tpu.pipeline_mode<synchronous>, transform_indices = @transform_5, window_bounds = array<i64: 1, 16>}, {pipeline_mode = #tpu.pipeline_mode<synchronous>, transform_indices = @transform_6, window_bounds = array<i64: 1, 16>}]} {
    %get3A = arith.constant 0 : index
    %get3A_0 = arith.constant 0 : index
    %get3A_1 = vector.load %arg2[%get3A, %get3A_0] : memref<256x256xf32, #tpu.memory_space<vmem>>, vector<256x256xf32>
    %get3A_2 = arith.constant 0 : index
    %get3A_3 = arith.constant 0 : index
    %get3A_4 = vector.load %arg1[%get3A_2, %get3A_3] : memref<256x2048xf32, #tpu.memory_space<vmem>>, vector<256x2048xf32>
    %dot_general3A = arith.constant dense<0.000000e+00> : vector<256x2048xf32>
    %dot_general3A_5 = tpu.matmul %get3A_1, %get3A_4, %dot_general3A {dimension_numbers = #tpu.dot_dimension_numbers<[1], [0], [0], [1], [0, 0, 1, 1], [], []>, transpose_lhs_hint = false} : vector<256x256xf32>, vector<256x2048xf32>, vector<256x2048xf32> -> vector<256x2048xf32>
    %get3A_6 = arith.constant 0 : index
    %get3A_7 = arith.constant 0 : index
    %get3A_8 = vector.load %arg3[%get3A_6, %get3A_7] : memref<256x1xf32, #tpu.memory_space<vmem>>, vector<256x1xf32>
    %add3A = vector.broadcast %get3A_8 : vector<256x1xf32> to vector<256x2048xf32>
    %add3A_9 = arith.addf %dot_general3A_5, %add3A : vector<256x2048xf32>
    %ge3A = arith.constant 0.000000e+00 : f32
    %ge3A_10 = vector.broadcast %ge3A : f32 to vector<256x2048xf32>
    %ge3A_11 = arith.cmpf oge, %add3A_9, %ge3A_10 : vector<256x2048xf32>
    %get3A_12 = arith.constant 0 : index
    %get3A_13 = arith.constant 0 : index
    %get3A_14 = vector.load %arg4[%get3A_12, %get3A_13] : memref<256x1xf32, #tpu.memory_space<vmem>>, vector<256x1xf32>
    %mul3A = vector.broadcast %get3A_14 : vector<256x1xf32> to vector<256x2048xf32>
    %mul3A_15 = arith.mulf %mul3A, %add3A_9 : vector<256x2048xf32>
    %select_n3A = arith.select %ge3A_11, %add3A_9, %mul3A_15 : vector<256x2048xi1>, vector<256x2048xf32>
    %iota3A = tpu.iota {dimensions = array<i32: 1>} : vector<256x2048xi32>
    %mul3A_16 = arith.constant 2048 : i32
    %mul3A_17 = arith.muli %arg0, %mul3A_16 : i32
    %add3A_18 = vector.broadcast %mul3A_17 : i32 to vector<256x2048xi32>
    %add3A_19 = arith.addi %iota3A, %add3A_18 : vector<256x2048xi32>
    %lt3A = arith.constant 10000 : i32
    %lt3A_20 = vector.broadcast %lt3A : i32 to vector<256x2048xi32>
    %lt3A_21 = arith.cmpi slt, %add3A_19, %lt3A_20 : vector<256x2048xi32>
    %jit3A = arith.constant 0.000000e+00 : f32
    %broadcast_in_dim3A = vector.broadcast %jit3A : f32 to vector<256x2048xf32>
    %select_n3A_22 = arith.select %lt3A_21, %select_n3A, %broadcast_in_dim3A : vector<256x2048xi1>, vector<256x2048xf32>
    %reduce_sum3A = arith.constant dense<0.000000e+00> : vector<256xf32>
    %reduce_sum3A_23 = vector.multi_reduction <add>, %select_n3A_22, %reduce_sum3A [1] : vector<256x2048xf32> to vector<256xf32>
    %broadcast_in_dim3A_24 = vector.shape_cast %reduce_sum3A_23 : vector<256xf32> to vector<256x1xf32>
    %eq3A = arith.constant 0 : i32
    %eq3A_25 = arith.cmpi eq, %arg0, %eq3A : i32
    %convert_element_type3A = arith.extui %eq3A_25 : i1 to i32
    %cond3A = arith.constant 0 : i32
    %cond3A_26 = arith.cmpi ne, %convert_element_type3A, %cond3A : i32
    scf.if %cond3A_26 {
      %swap3A = arith.constant 0 : index
      %swap3A_36 = arith.constant 0 : index
      %swap3A_37 = vector.load %arg8[%swap3A, %swap3A_36] : memref<256x1xf32, #tpu.memory_space<vmem>>, vector<256x1xf32>
      tpu.vector_store %arg8[%swap3A, %swap3A_36], %broadcast_in_dim3A_24 {strides = array<i32>} : memref<256x1xf32, #tpu.memory_space<vmem>>, vector<256x1xf32>,
    } else {
    }
    %gt3A = arith.constant 0 : i32
    %gt3A_27 = arith.cmpi sgt, %arg0, %gt3A : i32
    %convert_element_type3A_28 = arith.extui %gt3A_27 : i1 to i32
    %cond3A_29 = arith.constant 0 : i32
    %cond3A_30 = arith.cmpi ne, %convert_element_type3A_28, %cond3A_29 : i32
    scf.if %cond3A_30 {
      %get3A_36 = arith.constant 0 : index
      %get3A_37 = arith.constant 0 : index
      %get3A_38 = vector.load %arg8[%get3A_36, %get3A_37] : memref<256x1xf32, #tpu.memory_space<vmem>>, vector<256x1xf32>
      %add3A_39 = arith.addf %get3A_38, %broadcast_in_dim3A_24 : vector<256x1xf32>
      %swap3A = arith.constant 0 : index
      %swap3A_40 = arith.constant 0 : index
      %swap3A_41 = vector.load %arg8[%swap3A, %swap3A_40] : memref<256x1xf32, #tpu.memory_space<vmem>>, vector<256x1xf32>
      tpu.vector_store %arg8[%swap3A, %swap3A_40], %add3A_39 {strides = array<i32>} : memref<256x1xf32, #tpu.memory_space<vmem>>, vector<256x1xf32>,
    } else {
    }
    %eq3A_31 = arith.constant 4 : i32
    %eq3A_32 = arith.cmpi eq, %arg0, %eq3A_31 : i32
    %convert_element_type3A_33 = arith.extui %eq3A_32 : i1 to i32
    %cond3A_34 = arith.constant 0 : i32
    %cond3A_35 = arith.cmpi ne, %convert_element_type3A_33, %cond3A_34 : i32
    scf.if %cond3A_35 {
      %get3A_36 = arith.constant 0 : index
      %get3A_37 = arith.constant 0 : index
      %get3A_38 = vector.load %arg8[%get3A_36, %get3A_37] : memref<256x1xf32, #tpu.memory_space<vmem>>, vector<256x1xf32>
      %get3A_39 = arith.constant 0 : index
      %get3A_40 = arith.constant 0 : index
      %get3A_41 = vector.load %arg5[%get3A_39, %get3A_40] : memref<256x16xf32, #tpu.memory_space<vmem>>, vector<256x16xf32>
      %mul3A_42 = vector.broadcast %get3A_38 : vector<256x1xf32> to vector<256x16xf32>
      %mul3A_43 = arith.mulf %mul3A_42, %get3A_41 : vector<256x16xf32>
      %reduce_sum3A_44 = arith.constant dense<0.000000e+00> : vector<16xf32>
      %reduce_sum3A_45 = vector.multi_reduction <add>, %mul3A_43, %reduce_sum3A_44 [0] : vector<256x16xf32> to vector<16xf32>
      %broadcast_in_dim3A_46 = vector.shape_cast %reduce_sum3A_45 : vector<16xf32> to vector<1x16xf32>
      %get3A_47 = arith.constant 0 : index
      %get3A_48 = arith.constant 0 : index
      %get3A_49 = vector.load %arg6[%get3A_47, %get3A_48] : memref<1x16xf32, #tpu.memory_space<vmem>>, vector<1x16xf32>
      %add3A_50 = arith.addf %broadcast_in_dim3A_46, %get3A_49 : vector<1x16xf32>
      %reduce_max3A = arith.constant dense<0xFF800000> : vector<1xf32>
      %reduce_max3A_51 = vector.multi_reduction <maximumf>, %add3A_50, %reduce_max3A [1] : vector<1x16xf32> to vector<1xf32>
      %broadcast_in_dim3A_52 = vector.shape_cast %reduce_max3A_51 : vector<1xf32> to vector<1x1xf32>
      %sub3A = vector.broadcast %broadcast_in_dim3A_52 : vector<1x1xf32> to vector<1x16xf32>
      %sub3A_53 = arith.subf %add3A_50, %sub3A : vector<1x16xf32>
      %exp3A = math.exp %sub3A_53 : vector<1x16xf32>
      %reduce_sum3A_54 = arith.constant dense<0.000000e+00> : vector<1xf32>
      %reduce_sum3A_55 = vector.multi_reduction <add>, %exp3A, %reduce_sum3A_54 [1] : vector<1x16xf32> to vector<1xf32>
      %broadcast_in_dim3A_56 = vector.shape_cast %reduce_sum3A_55 : vector<1xf32> to vector<1x1xf32>
      %div3A = vector.broadcast %broadcast_in_dim3A_56 : vector<1x1xf32> to vector<1x16xf32>
      %div3A_57 = arith.divf %exp3A, %div3A : vector<1x16xf32>
      %swap3A = arith.constant 0 : index
      %swap3A_58 = arith.constant 0 : index
      %swap3A_59 = vector.load %arg7[%swap3A, %swap3A_58] : memref<1x16xf32, #tpu.memory_space<vmem>>, vector<1x16xf32>
      tpu.vector_store %arg7[%swap3A, %swap3A_58], %div3A_57 {strides = array<i32>} : memref<1x16xf32, #tpu.memory_space<vmem>>, vector<1x16xf32>,
    } else {
    }
    return
  }
  func.func @transform_0(%arg0: i32) -> (i32, i32) {
    %c0_i32 = arith.constant 0 : i32
    %c0_i32_0 = arith.constant 0 : i32
    return %c0_i32, %arg0 : i32, i32
  }
  func.func @transform_1(%arg0: i32) -> (i32, i32) {
    %c0_i32 = arith.constant 0 : i32
    %c0_i32_0 = arith.constant 0 : i32
    %c0_i32_1 = arith.constant 0 : i32
    return %c0_i32, %c0_i32_0 : i32, i32
  }
  func.func @transform_2(%arg0: i32) -> (i32, i32) {
    %c0_i32 = arith.constant 0 : i32
    %c0_i32_0 = arith.constant 0 : i32
    %c0_i32_1 = arith.constant 0 : i32
    return %c0_i32, %c0_i32_0 : i32, i32
  }
  func.func @transform_3(%arg0: i32) -> (i32, i32) {
    %c0_i32 = arith.constant 0 : i32
    %c0_i32_0 = arith.constant 0 : i32
    %c0_i32_1 = arith.constant 0 : i32
    return %c0_i32, %c0_i32_0 : i32, i32
  }
  func.func @transform_4(%arg0: i32) -> (i32, i32) {
    %c0_i32 = arith.constant 0 : i32
    %c0_i32_0 = arith.constant 0 : i32
    %c0_i32_1 = arith.constant 0 : i32
    return %c0_i32, %c0_i32_0 : i32, i32
  }
  func.func @transform_5(%arg0: i32) -> (i32, i32) {
    %c0_i32 = arith.constant 0 : i32
    %c0_i32_0 = arith.constant 0 : i32
    %c0_i32_1 = arith.constant 0 : i32
    return %c0_i32, %c0_i32_0 : i32, i32
  }
  func.func @transform_6(%arg0: i32) -> (i32, i32) {
    %c0_i32 = arith.constant 0 : i32
    %c0_i32_0 = arith.constant 0 : i32
    %c0_i32_1 = arith.constant 0 : i32
    return %c0_i32, %c0_i32_0 : i32, i32
  }
}

</mosaic_0001>

<sc_bundles>
// kernel: kernel.6.cloned.1.call-start
scs
__scs_entry_jumppad:
0x0: {  	(pc) =	sbr.rel $0x88, $3  }
0x1: {  	(tag) =	ssettag $0x0;
	lr =	simm.s32 $0x1  }
0x2: {  	[smem:$0x3F97] =	sst lr;
	_ =	strace $0xD0000000  }
0x3: {  	_ = 	snop  }
0x4: {  	_ = 	snop  }
0x5: {  	_ = 	snop  }
0x6: {  	_ = 	snop  }
0x7: {  	_ = 	snop  }
__scs_overlays_trampoline_lowered:
0x8: {  	[smem:$0x3FA6] =	sst s0  }
0x9: {  	[smem:$0x3FA7] =	sst s1  }
0xa: {  	[smem:$0x3FA8] =	sst s2  }
0xb: {  	[smem:$0x3FA9] =	sst s3  }
0xc: {  	[smem:$0x3FAA] =	sst s4  }
0xd: {  	[smem:$0x3FAB] =	sst s5  }
0xe: {  	[smem:$0x3FAC] =	sst s6  }
0xf: {  	[smem:$0x3FAD] =	sst s7  }
0x10: {  	[smem:$0x3FAE] =	sst s8  }
0x11: {  	[smem:$0x3FAF] =	sst s9;
	s0 =	simm.s32 @!p0 $0x0  }
0x12: {  	s1 =	sld [smem:$0x3F95];
	s0 =	simm.s32 @p0 $0x1  }
0x13: {  	[smem:$0x3FB0] =	sst s0;
	s0 =	simm.s32 @!p1 $0x0  }
0x14: {  	s2 =	sld [smem:$0x3F94];
	s0 =	simm.s32 @p1 $0x1  }
0x15: {  	[smem:$0x3FB1] =	sst s0;
	s0 =	simm.s32 @!p2 $0x0  }
0x16: {  	s3 =	sld [smem:$0x3FDB];
	s0 =	simm.s32 @p2 $0x1  }
0x17: {  	s4 =	simm.s32 $0x1BF5;
	[smem:$0x3FB3] =	sst s0  }
0x18: {  	s0 =	sld [smem:$0x3F96];
	_ =	swait.ge [sflag:s4], $0x0  }
0x19: {  	s7 =	sld [smem:$0x3F97]  }
0x1a: {  	s8 =	sadd.s32 $0xFFFFE003, lr  }
0x1b: {  	s9 =	sadd.s32 $0xFFFFFEF7, lr;
	s5 =	simm.s32 $0xFFFFFFFF;
	p2 =	slt.u32 s8, $0xFFFFF086  }
0x1c: {  	p1 =	slt.u32 s9, $0xF7A;
	s5 =	simm.s32 @!p2 $0x0  }
0x1d: {  	s5 =	simm.s32 @p1 $0x1;
	p0 =	seq.s32 s7, s2  }
0x1e: {  	s7 =	smul.u32 @!p0 $0xF7A, s2;
	p2 =	seq.s32 @!p0 s5, $0x0  }
0x1f: {  	s9 =	smul.u32 $0xF7A, s1;
	s8 =	simm.s32 @!p0 $0x1BF5;
	p2 =	por !p2, p0  }
0x20: {  	[sflag:s8] =	ssyncset.s32 @!p0 $0xFFFFF086;
	s6 =	sadd.s32 @!p0 s3, s7;
	s7 =	simm.s32 @!p0 $0x108  }
0x21: {  	s3 =	sadd.s32 s3, s9;
	s6 =	sadd.s32 @!p0 $0x88, s6;
	s7 =	simm.s32 @p2 $0x1082  }
0x22: {  	[simem:s7], [sflag:s8] =	dma.local @!p0 [hbm:s6], $0xF7A  }
0x23: {  	s9 =	sor.u32 $0xD0000000, s2;
	s6 =	simm.s32 $0x108;
	_ =	swait.ge @!p0 [sflag:s8], $0x0  }
0x24: {  	s3 =	sadd.s32 $0x88, s3;
	s6 =	simm.s32 @!p1 $0x1082;
	[sflag:s4] =	ssyncset.s32 $0xFFFFF086  }
0x25: {  	[simem:s6], [sflag:s4] =	dma.local [hbm:s3], $0xF7A  }
0x26: {  	[smem:$0x3F97] =	sst s1;
	(tag) =	ssettag s2;
	_ =	strace s9  }
0x27: {  	s1 =	sld [smem:$0x3FA7]  }
0x28: {  	s2 =	sld [smem:$0x3FA8]  }
0x29: {  	s4 =	sld [smem:$0x3FAA]  }
0x2a: {  	p0 =	seq.s32 s5, $0x0;
	s5 =	sld [smem:$0x3FAB]  }
0x2b: {  	s6 =	sld [smem:$0x3FAC]  }
0x2c: {  	s7 =	sld [smem:$0x3FAD]  }
0x2d: {  	s3 =	simm.s32 $0x108;
	s8 =	sld [smem:$0x3FAE]  }
0x2e: {  	s3 =	simm.s32 @!p0 $0x1082;
	s9 =	sld [smem:$0x3FAF]  }
0x2f: {  	lr =	sadd.s32 s0, s3;
	s0 =	sld [smem:$0x3FA6]  }
0x30: {  	s3 =	sld [smem:$0x3FA9]  }
0x31: {  	[smem:$0x3FB2] =	sst s10  }
0x32: {  	s10 =	sld [smem:$0x3FB0];
	_ =	sdelay $0x3  }
0x33: {  	p0 =	seq.s32 s10, $0x1;
	s10 =	sld [smem:$0x3FB2];
	_ =	sdelay $0x3  }
0x34: {  	[smem:$0x3FB2] =	sst s10  }
0x35: {  	s10 =	sld [smem:$0x3FB1];
	_ =	sdelay $0x3  }
0x36: {  	p1 =	seq.s32 s10, $0x1;
	s10 =	sld [smem:$0x3FB2];
	_ =	sdelay $0x3  }
0x37: {  	[smem:$0x3FB2] =	sst s10  }
0x38: {  	s10 =	sld [smem:$0x3FB3]  }
0x39: {  	_ = 	snop;
	(pc) =	sbr.ind lr, $3  }
0x3a: {  	_ = 	snop  }
0x3b: {  	_ = 	snop  }
0x3c: {  	p2 =	seq.s32 s10, $0x1;
	s10 =	sld [smem:$0x3FB2]  }
0x3d: {  	_ =	shalt  }
0x3e: {  	_ =	shalt  }
0x3f: {  	_ =	shalt  }
0x40: {  	_ =	shalt  }
0x41: {  	_ =	shalt  }
0x42: {  	_ =	shalt  }
0x43: {  	_ =	shalt  }
0x44: {  	_ =	shalt  }
0x45: {  	_ =	shalt  }
0x46: {  	_ =	shalt  }
0x47: {  	_ =	shalt  }
0x48: {  	_ =	shalt  }
0x49: {  	_ =	shalt  }
0x4a: {  	_ =	shalt  }
0x4b: {  	_ =	shalt  }
0x4c: {  	_ =	shalt  }
0x4d: {  	_ =	shalt  }
0x4e: {  	_ =	shalt  }
0x4f: {  	_ =	shalt  }
0x50: {  	_ =	shalt  }
0x51: {  	_ =	shalt  }
0x52: {  	_ =	shalt  }
0x53: {  	_ =	shalt  }
0x54: {  	_ =	shalt  }
0x55: {  	_ =	shalt  }
0x56: {  	_ =	shalt  }
0x57: {  	_ =	shalt  }
0x58: {  	_ =	shalt  }
0x59: {  	_ =	shalt  }
0x5a: {  	_ =	shalt  }
0x5b: {  	_ =	shalt  }
0x5c: {  	_ =	shalt  }
0x5d: {  	_ =	shalt  }
0x5e: {  	_ =	shalt  }
0x5f: {  	_ =	shalt  }
0x60: {  	_ =	shalt  }
0x61: {  	_ =	shalt  }
0x62: {  	_ =	shalt  }
0x63: {  	_ =	shalt  }
0x64: {  	_ =	shalt  }
0x65: {  	_ =	shalt  }
0x66: {  	_ =	shalt  }
0x67: {  	_ =	shalt  }
0x68: {  	_ =	shalt  }
0x69: {  	_ =	shalt  }
0x6a: {  	_ =	shalt  }
0x6b: {  	_ =	shalt  }
0x6c: {  	_ =	shalt  }
0x6d: {  	_ =	shalt  }
0x6e: {  	_ =	shalt  }
0x6f: {  	_ =	shalt  }
0x70: {  	_ =	shalt  }
0x71: {  	_ =	shalt  }
0x72: {  	_ =	shalt  }
0x73: {  	_ =	shalt  }
0x74: {  	_ =	shalt  }
0x75: {  	_ =	shalt  }
0x76: {  	_ =	shalt  }
0x77: {  	_ =	shalt  }
0x78: {  	_ =	shalt  }
0x79: {  	_ =	shalt  }
0x7a: {  	_ =	shalt  }
0x7b: {  	_ =	shalt  }
0x7c: {  	_ =	shalt  }
0x7d: {  	_ =	shalt  }
0x7e: {  	_ =	shalt  }
0x7f: {  	_ =	shalt  }
0x80: {  	_ =	shalt  }
0x81: {  	_ =	shalt  }
0x82: {  	_ =	shalt  }
0x83: {  	_ =	shalt  }
0x84: {  	_ =	shalt  }
0x85: {  	_ =	shalt  }
0x86: {  	_ =	shalt  }
0x87: {  	_ =	shalt  }
.Lfunc_end0:
.L_simem_size_0:
called_computation_lowered:
.L_overlay_start_0:
0x88: {  	s2 =	sld [smem:$0x3FD9]  }
0x89: {  	s3 =	sld [smem:$0x3FFE];
	_ =	sdelay $0x1  }
0x8a: {  	s1 =	srdreg.scid  }
0x8b: {  	s0 =	sand.u32 $0x1, s1  }
0x8c: {  	s16 =	sshll.u32 s0, $0xA;
	s2 =	sadd.s32 s3, s2  }
0x8d: {  	s2 =	sadd.s32 s2, s16  }
0x8e: {  	[smem:$0x3FBE] =	sst s2  }
0x8f: {  	_ = 	snop  }
0x90: {  	(tm) =	ssettm $0x1  }
0x91: {  	s17 =	sld [smem:$0x3FFB];
	_ =	sdelay $0x3  }
0x92: {  	_ =	strace s17  }
0x93: {  	s2 =	sld [smem:$0x3FFC];
	_ =	sdelay $0x3  }
0x94: {  	_ =	strace s2  }
0x95: {  	s2 =	sld [smem:$0x3FFD];
	_ =	sdelay $0x3  }
0x96: {  	_ =	strace s2  }
0x97: {  	_ =	strace $0x8FFFFFFF  }
0x98: {  	s18 =	sld [smem:$0x3FDB];
	_ =	sdelay $0x1  }
0x99: {  	s19 =	simm.s32 $_scs_section_size  }
0x9a: {  	s4 =	simm.s32 $_size__tile_overlayer_lowered;
	s5 =	simm.s32 $_tile_overlayer_lowered  }
0x9b: {  	s22 =	simm.s32 $0x1BFF;
	s21 =	sshll.u32 s5, $0x1;
	s2 =	sadd.s32 s19, s18  }
0x9c: {  	s6 =	simm.s32 $0x0;
	s20 =	sshll.u32 s4, $0x1;
	s4 =	sadd.s32 s21, s2  }
0x9d: {  	[timem:s6], [sflag:s22] =	dma.local [hbm:s4], s20  }
0x9e: {  	_ =	swait.ge [sflag:s22], s20  }
0x9f: {  	s3 =	ssub.s32 $0x0, s20;
	[sflag:s22] =	ssyncset.done $0x0  }
0xa0: {  	[sflag:s22] =	ssyncadd.s32 s3;
	_ =	sdelay $0x1  }
0xa1: {  	s23 =	simm.s32 $0x1B8B  }
0xa2: {  	_ =	swait.ge [sflag:s23], $0x1  }
0xa3: {  	[sflag:s23] =	ssyncset.done $0x0  }
0xa4: {  	s25 =	simm.s32 $0x1B8E;
	s24 =	sld [smem:$0x3FFE];
	[sflag:s23] =	ssyncadd.s32 $0xFFFFFFFF  }
0xa5: {  	s26 =	simm.s32 $execute0_lowered;
	[smem:$0x3FD2] =	sst s25  }
0xa6: {  	s4 =	sshll.u32 s26, $0x1;
	_ =	strace $0x80000046;
	[dreg:$0x1] =	wrdreg $0xFFFFFFFF  }
0xa7: {  	s28 =	simm.s32 $_size_execute0_lowered;
	s2 =	sadd.s32 s2, s4;
	[dreg:$0x0] =	wrdreg $0x0  }
0xa8: {  	s4 =	sshll.u32 s28, $0x1;
	[dreg:$0x2] =	wrdreg s2  }
0xa9: {  	[dreg:$0x3] =	wrdreg s4  }
0xaa: {  	[dreg:$0x4] =	wrdreg $0xC0  }
0xab: {  	_ =	task [dreg:s6], $0x5FFFF  }
0xac: {  	[dreg:$0x1] =	wrdreg $0xFFFFFFFF  }
0xad: {  	[dreg:$0x0] =	wrdreg $0x60  }
0xae: {  	[dreg:$0x2] =	wrdreg s24  }
0xaf: {  	[dreg:$0x3] =	wrdreg $0x9  }
0xb0: {  	_ =	task.clear_ibuf [dreg:s6], $0x4FFFF;
	_ =	strace $0x90000046  }
0xb1: {  	s29 =	simm.s32 $0x9;
	_ =	strace $0x80000048  }
0xb2: {  	_ =	swait.ge [sflag:s29], $0x1  }
0xb3: {  	[sflag:s29] =	ssyncadd.s32 $0xFFFFFFFF  }
0xb4: {  	_ =	strace $0x90000048  }
0xb5: {  	_ =	sfence  }
0xb6: {  	s30 =	sld [smem:$0x0];
	_ =	sdelay $0x2  }
0xb7: {  	s31 =	sshll.u32 s1, $0xD;
	s1 =	sshrl.u32 s1, $0x2  }
0xb8: {  	s3 =	sand.u32 $0x4000, s31;
	s1 =	sadd.s32 s1, s30  }
0xb9: {  	s0 =	sor.u32 s3, s0;
	s1 =	sshll.u32 s1, $0x11  }
0xba: {  	s0 =	sor.u32 s1, s0  }
0xbb: {  	s0 =	sadd.s32 $0x8F2B, s0  }
0xbc: {  	[sflag:s0] =	ssyncadd.remote.s32 $0x1  }
0xbd: {  	_ =	sfence.sel $0xFFFF  }
0xbe: {  	[dreg:$0x0] =	wrdreg $0xFFFFFFFF;
	(pc) =	sbr.abs _section_cstart, $3  }
0xbf: {  	[dreg:$0x1] =	wrdreg $0xFFFFFFFF  }
0xc0: {  	_ =	task.clear_ibuf [dreg:s6], $0x2FFFF;
	_ =	strace $0x9FFFFFFF  }
0xc1: {  	(tm) =	ssettm $0x7FFFFFFF  }
tec
execute0_lowered:
.L_overlay_start_1:
0x0: {  	(tag) =	ssettag $0x1  }
0x1: {  	s1 =	srdreg.scid  }
0x2: {  	s0 =	stileid.u32;
	s5 =	rddreg [dreg:$0x0];
	s2 =	simm.s32 $0x0  }
0x3: {  	s8 =	simm.s32 $0x1;
	s9 =	simm.s32 $0x14000;
	s10 =	simm.s32 $0x14800  }
0x4: {  	s11 =	simm.s32 $0xA000;
	s4 =	sand.u32 $0x1, s1;
	s3 =	sshll.u32 s0, $0x1  }
0x5: {  	s12 =	simm.s32 $0x0;
	s1 =	rddreg [dreg:$0x1];
	s3 =	sor.u32 s4, s3  }
0x6: {  	[smem:$0x7FF] =	sst s2;
	s7 =	ssub.s32 $0x2, s4;
	s6 =	smul.u32 $0x1400, s3  }
0x7: {  	_ =	strace $0x80000047;
	s4 =	sadd.s32 $0x1200, s5;
	s31 =	sshrl.u32 s7, $0x1  }
0x8: {  	s3 =	sadd.s32 $0xB000, s5;
	s7 =	ssub.s32 s7, s31;
	s6 =	sadd.s32 s6, s5  }
0x9: {  	v0 =	vimm.f32 $0.0e+00;
	s7 =	smax.u32 s7, $0x1;
	s5 =	sadd.s32 $0x14E00, s6;
	s6 =	sadd.s32 $0x3CE00, s6  }
.LBB2_1:
0xa: {  	[tilespmem:s2], [sflag:$0x1] =	stream.linear.gather [hbm4b:s5+s2], $0xA000, $0x38;
	[tilespmem:$0x15000] =	vst v63  }
0xb: {  	_ =	swait.ge [sflag:s8], $0xA000  }
0xc: {  	[sflag:s8] =	ssyncset.done $0x0  }
0xd: {  	s13 =	simm.s32 $0x40;
	s14 =	simm.s32 $0x0;
	[sflag:s8] =	ssyncadd.s32 $0xFFFF6000  }
.LBB2_2:
0xe: {  	p0 =	sne.s32 s13, $0x27FC0;
	[tilespmem:s14+$0xA000] =	vst v0;
	s14 =	smov.u32 s13;
	s13 =	sadd.s32 $0x40, s13  }
.Ltmp0:
0xf: {  	(pc) =	sbr.rel @p0 .LBB2_2-.Ltmp0, $2  }
0x10: {  	_ =	sdelay $0x2  }
0x11: {  	s14 =	sshra.s32 s14, $0x2  }
0x12: {  	[tilespmem:s14+$0xA000] =	vst v0;
	s13 =	simm.s32 $0x0;
	s14 =	simm.s32 $0x0  }
.LBB2_4:
0x13: {  	s15 =	smul.u32 $0xFA, s14;
	_ =	sdelay $0x1  }
0x14: {  	s16 =	sadd.s32 s3, s15  }
0x15: {  	[tilespmem:s9], [sflag:$0x1] =	stream.linear.gather [hbm4b:s16+s13], $0x7D0, $0x38;
	[tilespmem:$0x15000] =	vst v63  }
0x16: {  	_ =	swait.ge [sflag:s8], $0x7D0  }
0x17: {  	[sflag:s8] =	ssyncset.done $0x0  }
0x18: {  	s15 =	sadd.s32 s4, s15;
	[sflag:s8] =	ssyncadd.s32 $0xFFFFF830  }
0x19: {  	[tilespmem:s10], [sflag:$0x1] =	stream.linear.gather [hbm4b:s15+s13], $0x7D0, $0x38;
	[tilespmem:$0x15000] =	vst v63  }
0x1a: {  	_ =	swait.ge [sflag:s8], $0x7D0  }
0x1b: {  	[sflag:s8] =	ssyncset.done $0x0  }
0x1c: {  	s31 =	simm.s32 $0x0;
	[sflag:s8] =	ssyncadd.s32 $0xFFFFF830  }
0x1d: {  	v1 =	vld [tilespmem:s31+$0x14000];
	_ =	sdelay $0x4  }
0x1e: {  	v2 =	vld [tilespmem:s31+$0x14800];
	_ =	sdelay $0x2  }
0x1f: {  	v3 =	vld.idx.msk [tilespmem:v1+s2+$0x0], $0xffff  }
0x20: {  	v4 =	vadd.s32 $0x2800, v1;
	_ =	sdelay $0x3  }
0x21: {  	[tilespmem:v2+s11+$0x0] =	vst.idx.add.f32.msk $0xffff, v3  }
0x22: {  	v62 =	vadd.s32 $0x2800, v2;
	v3 =	vld.idx.msk [tilespmem:v4+s2+$0x0], $0xffff  }
0x23: {  	v5 =	vadd.s32 $0x5000, v1;
	_ =	sdelay $0x3  }
0x24: {  	[tilespmem:v62+s11+$0x0] =	vst.idx.add.f32.msk $0xffff, v3  }
0x25: {  	v63 =	vadd.s32 $0x5000, v2;
	v3 =	vld.idx.msk [tilespmem:v5+s2+$0x0], $0xffff  }
0x26: {  	v1 =	vadd.s32 $0x7800, v1;
	_ =	sdelay $0x3  }
0x27: {  	[tilespmem:v63+s11+$0x0] =	vst.idx.add.f32.msk $0xffff, v3  }
0x28: {  	s16 =	simm.s32 $0x80;
	s15 =	simm.s32 $0x40;
	v2 =	vadd.s32 $0x7800, v2;
	v1 =	vld.idx.msk [tilespmem:v1+s2+$0x0], $0xffff  }
.LBB2_5:
0x29: {  	_ =	sdelay $0x2  }
0x2a: {  	p0 =	sne.s32 s16, $0x1F00  }
0x2b: {  	s17 =	sshra.s32 s15, $0x2;
	s15 =	smov.u32 s16;
	s16 =	sadd.s32 $0x40, s16;
	[tilespmem:v2+s11+$0x0] =	vst.idx.add.f32.msk $0xffff, v1  }
0x2c: {  	v1 =	vld [tilespmem:s17+$0x14000];
	_ =	sdelay $0x5  }
0x2d: {  	v2 =	vld [tilespmem:s17+$0x14800];
	_ =	sdelay $0x1  }
0x2e: {  	v3 =	vld.idx.msk [tilespmem:v1+s2+$0x0], $0xffff;
	_ =	sdelay $0x1  }
0x2f: {  	v4 =	vadd.s32 $0x2800, v1;
	_ =	sdelay $0x3  }
0x30: {  	[tilespmem:v2+s11+$0x0] =	vst.idx.add.f32.msk $0xffff, v3  }
0x31: {  	v3 =	vld.idx.msk [tilespmem:v4+s2+$0x0], $0xffff  }
0x32: {  	v4 =	vadd.s32 $0x2800, v2  }
0x33: {  	v5 =	vadd.s32 $0x5000, v1;
	_ =	sdelay $0x3  }
0x34: {  	[tilespmem:v4+s11+$0x0] =	vst.idx.add.f32.msk $0xffff, v3  }
0x35: {  	v3 =	vld.idx.msk [tilespmem:v5+s2+$0x0], $0xffff  }
0x36: {  	v4 =	vadd.s32 $0x5000, v2  }
0x37: {  	v1 =	vadd.s32 $0x7800, v1;
	_ =	sdelay $0x1  }
.Ltmp1:
0x38: {  	(pc) =	sbr.rel @p0 .LBB2_5-.Ltmp1, $4  }
0x39: {  	_ = 	snop  }
0x3a: {  	[tilespmem:v4+s11+$0x0] =	vst.idx.add.f32.msk $0xffff, v3  }
0x3b: {  	v1 =	vld.idx.msk [tilespmem:v1+s2+$0x0], $0xffff  }
0x3c: {  	v2 =	vadd.s32 $0x7800, v2  }
0x3d: {  	_ =	sdelay $0x3  }
0x3e: {  	s15 =	sshra.s32 s15, $0x2;
	[tilespmem:v2+s11+$0x0] =	vst.idx.add.f32.msk $0xffff, v1  }
0x3f: {  	v1 =	vld [tilespmem:s15+$0x14000];
	_ =	sdelay $0x4  }
0x40: {  	v2 =	vld [tilespmem:s15+$0x14800];
	_ =	sdelay $0x2  }
0x41: {  	v3 =	vld.idx.msk [tilespmem:v1+s2+$0x0], $0xffff  }
0x42: {  	v4 =	vadd.s32 $0x2800, v1;
	_ =	sdelay $0x3  }
0x43: {  	[tilespmem:v2+s11+$0x0] =	vst.idx.add.f32.msk $0xffff, v3  }
0x44: {  	v62 =	vadd.s32 $0x2800, v2;
	v3 =	vld.idx.msk [tilespmem:v4+s2+$0x0], $0xffff  }
0x45: {  	v5 =	vadd.s32 $0x5000, v1;
	_ =	sdelay $0x3  }
0x46: {  	[tilespmem:v62+s11+$0x0] =	vst.idx.add.f32.msk $0xffff, v3  }
0x47: {  	v63 =	vadd.s32 $0x5000, v2;
	v3 =	vld.idx.msk [tilespmem:v5+s2+$0x0], $0xffff  }
0x48: {  	v1 =	vadd.s32 $0x7800, v1;
	_ =	sdelay $0x3  }
0x49: {  	s14 =	sadd.s32 $0x1, s14;
	[tilespmem:v63+s11+$0x0] =	vst.idx.add.f32.msk $0xffff, v3  }
0x4a: {  	p0 =	sne.s32 s14, $0xA0;
	v2 =	vadd.s32 $0x7800, v2;
	v1 =	vld.idx.msk [tilespmem:v1+s2+$0x0], $0xffff  }
.Ltmp2:
0x4b: {  	_ = 	snop;
	(pc) =	sbr.rel @p0 .LBB2_4-.Ltmp2, $2  }
0x4c: {  	_ =	sdelay $0x2  }
0x4d: {  	[tilespmem:v2+s11+$0x0] =	vst.idx.add.f32.msk $0xffff, v1  }
0x4e: {  	s12 =	sadd.s32 $0x1, s12  }
0x4f: {  	p0 =	sne.s32 s12, s7  }
.Ltmp3:
0x50: {  	_ = 	snop;
	(pc) =	sbr.rel @p0 .LBB2_1-.Ltmp3, $4  }
0x51: {  	[hbm4b:s6+s2] =	stream.linear.scatter [tilespmem:s11], [sflag:$0x1], $0xA000, $0x38;
	[tilespmem:$0x15000] =	vst v63  }
0x52: {  	_ =	swait.ge [sflag:s8], $0xA000  }
0x53: {  	[sflag:s8] =	ssyncset.done $0x0  }
0x54: {  	[sflag:s8] =	ssyncadd.s32 $0xFFFF6000  }
0x55: {  	_ =	sfence.sel $0x180000  }
0x56: {  	[bflag:$0x0] =	sbarrier.arrive $0xFFFF  }
0x57: {  	p0 =	sne.s32 s0, $0x0;
	_ =	strace $0x90000047  }
0x58: {  	s0 =	sadd.s32 @!p0 $0x100000, s1;
	[bflag:$0x2] =	sbarrier.arrive $0xFFFF  }
0x59: {  	[sflag:s0] =	ssyncadd.tile.s32 @!p0 $0x1;
	_ =	shalt  }
.Lfunc_end2:
_tile_overlayer_lowered:
.L_overlay_start_2:
0x5a: {  	(tag) =	ssettag $0x2  }
0x5b: {  	s0 =	rddreg [dreg:$0x0];
	s2 =	stileid.u32  }
0x5c: {  	s1 =	rddreg [dreg:$0x1];
	p0 =	sne.s32 s2, $0x0  }
0x5d: {  	s3 =	rddreg [dreg:$0x2];
	[bflag:$0x3] =	sbarrier.arrive $0xFFFF;
	s2 =	simm.s32 @!p0 $0x1C01  }
0x5e: {  	[timem:s3], [sflag:s2] =	dma.local @!p0 [hbm:s0], s1  }
0x5f: {  	s0 =	simm.s32 @!p0 $0x1  }
0x60: {  	_ =	swait.ge @!p0 [sflag:s0], s1  }
0x61: {  	s1 =	ssub.s32 @!p0 $0x0, s1;
	[sflag:s0] =	ssyncset.done @!p0 $0x0  }
0x62: {  	[sflag:s0] =	ssyncadd.s32 @!p0 s1  }
0x63: {  	[bflag:$0x3] =	sbarrier.arrive $0xFFFF  }
0x64: {  	_ =	shalt  }

// kernel: kernel.9.cloned.1.call-start
scs
__scs_entry_jumppad:
0x0: {  	(pc) =	sbr.rel $0x88, $3  }
0x1: {  	(tag) =	ssettag $0x0;
	lr =	simm.s32 $0x1  }
0x2: {  	[smem:$0x3F97] =	sst lr;
	_ =	strace $0xD0000000  }
0x3: {  	_ = 	snop  }
0x4: {  	_ = 	snop  }
0x5: {  	_ = 	snop  }
0x6: {  	_ = 	snop  }
0x7: {  	_ = 	snop  }
__scs_overlays_trampoline_lowered:
0x8: {  	[smem:$0x3FA6] =	sst s0  }
0x9: {  	[smem:$0x3FA7] =	sst s1  }
0xa: {  	[smem:$0x3FA8] =	sst s2  }
0xb: {  	[smem:$0x3FA9] =	sst s3  }
0xc: {  	[smem:$0x3FAA] =	sst s4  }
0xd: {  	[smem:$0x3FAB] =	sst s5  }
0xe: {  	[smem:$0x3FAC] =	sst s6  }
0xf: {  	[smem:$0x3FAD] =	sst s7  }
0x10: {  	[smem:$0x3FAE] =	sst s8  }
0x11: {  	[smem:$0x3FAF] =	sst s9;
	s0 =	simm.s32 @!p0 $0x0  }
0x12: {  	s1 =	sld [smem:$0x3F95];
	s0 =	simm.s32 @p0 $0x1  }
0x13: {  	[smem:$0x3FB0] =	sst s0;
	s0 =	simm.s32 @!p1 $0x0  }
0x14: {  	s2 =	sld [smem:$0x3F94];
	s0 =	simm.s32 @p1 $0x1  }
0x15: {  	[smem:$0x3FB1] =	sst s0;
	s0 =	simm.s32 @!p2 $0x0  }
0x16: {  	s3 =	sld [smem:$0x3FDB];
	s0 =	simm.s32 @p2 $0x1  }
0x17: {  	s4 =	simm.s32 $0x1BF5;
	[smem:$0x3FB3] =	sst s0  }
0x18: {  	s0 =	sld [smem:$0x3F96];
	_ =	swait.ge [sflag:s4], $0x0  }
0x19: {  	s7 =	sld [smem:$0x3F97]  }
0x1a: {  	s8 =	sadd.s32 $0xFFFFE003, lr  }
0x1b: {  	s9 =	sadd.s32 $0xFFFFFEF7, lr;
	s5 =	simm.s32 $0xFFFFFFFF;
	p2 =	slt.u32 s8, $0xFFFFF086  }
0x1c: {  	p1 =	slt.u32 s9, $0xF7A;
	s5 =	simm.s32 @!p2 $0x0  }
0x1d: {  	s5 =	simm.s32 @p1 $0x1;
	p0 =	seq.s32 s7, s2  }
0x1e: {  	s7 =	smul.u32 @!p0 $0xF7A, s2;
	p2 =	seq.s32 @!p0 s5, $0x0  }
0x1f: {  	s9 =	smul.u32 $0xF7A, s1;
	s8 =	simm.s32 @!p0 $0x1BF5;
	p2 =	por !p2, p0  }
0x20: {  	[sflag:s8] =	ssyncset.s32 @!p0 $0xFFFFF086;
	s6 =	sadd.s32 @!p0 s3, s7;
	s7 =	simm.s32 @!p0 $0x108  }
0x21: {  	s3 =	sadd.s32 s3, s9;
	s6 =	sadd.s32 @!p0 $0x88, s6;
	s7 =	simm.s32 @p2 $0x1082  }
0x22: {  	[simem:s7], [sflag:s8] =	dma.local @!p0 [hbm:s6], $0xF7A  }
0x23: {  	s9 =	sor.u32 $0xD0000000, s2;
	s6 =	simm.s32 $0x108;
	_ =	swait.ge @!p0 [sflag:s8], $0x0  }
0x24: {  	s3 =	sadd.s32 $0x88, s3;
	s6 =	simm.s32 @!p1 $0x1082;
	[sflag:s4] =	ssyncset.s32 $0xFFFFF086  }
0x25: {  	[simem:s6], [sflag:s4] =	dma.local [hbm:s3], $0xF7A  }
0x26: {  	[smem:$0x3F97] =	sst s1;
	(tag) =	ssettag s2;
	_ =	strace s9  }
0x27: {  	s1 =	sld [smem:$0x3FA7]  }
0x28: {  	s2 =	sld [smem:$0x3FA8]  }
0x29: {  	s4 =	sld [smem:$0x3FAA]  }
0x2a: {  	p0 =	seq.s32 s5, $0x0;
	s5 =	sld [smem:$0x3FAB]  }
0x2b: {  	s6 =	sld [smem:$0x3FAC]  }
0x2c: {  	s7 =	sld [smem:$0x3FAD]  }
0x2d: {  	s3 =	simm.s32 $0x108;
	s8 =	sld [smem:$0x3FAE]  }
0x2e: {  	s3 =	simm.s32 @!p0 $0x1082;
	s9 =	sld [smem:$0x3FAF]  }
0x2f: {  	lr =	sadd.s32 s0, s3;
	s0 =	sld [smem:$0x3FA6]  }
0x30: {  	s3 =	sld [smem:$0x3FA9]  }
0x31: {  	[smem:$0x3FB2] =	sst s10  }
0x32: {  	s10 =	sld [smem:$0x3FB0];
	_ =	sdelay $0x3  }
0x33: {  	p0 =	seq.s32 s10, $0x1;
	s10 =	sld [smem:$0x3FB2];
	_ =	sdelay $0x3  }
0x34: {  	[smem:$0x3FB2] =	sst s10  }
0x35: {  	s10 =	sld [smem:$0x3FB1];
	_ =	sdelay $0x3  }
0x36: {  	p1 =	seq.s32 s10, $0x1;
	s10 =	sld [smem:$0x3FB2];
	_ =	sdelay $0x3  }
0x37: {  	[smem:$0x3FB2] =	sst s10  }
0x38: {  	s10 =	sld [smem:$0x3FB3]  }
0x39: {  	_ = 	snop;
	(pc) =	sbr.ind lr, $3  }
0x3a: {  	_ = 	snop  }
0x3b: {  	_ = 	snop  }
0x3c: {  	p2 =	seq.s32 s10, $0x1;
	s10 =	sld [smem:$0x3FB2]  }
0x3d: {  	_ =	shalt  }
0x3e: {  	_ =	shalt  }
0x3f: {  	_ =	shalt  }
0x40: {  	_ =	shalt  }
0x41: {  	_ =	shalt  }
0x42: {  	_ =	shalt  }
0x43: {  	_ =	shalt  }
0x44: {  	_ =	shalt  }
0x45: {  	_ =	shalt  }
0x46: {  	_ =	shalt  }
0x47: {  	_ =	shalt  }
0x48: {  	_ =	shalt  }
0x49: {  	_ =	shalt  }
0x4a: {  	_ =	shalt  }
0x4b: {  	_ =	shalt  }
0x4c: {  	_ =	shalt  }
0x4d: {  	_ =	shalt  }
0x4e: {  	_ =	shalt  }
0x4f: {  	_ =	shalt  }
0x50: {  	_ =	shalt  }
0x51: {  	_ =	shalt  }
0x52: {  	_ =	shalt  }
0x53: {  	_ =	shalt  }
0x54: {  	_ =	shalt  }
0x55: {  	_ =	shalt  }
0x56: {  	_ =	shalt  }
0x57: {  	_ =	shalt  }
0x58: {  	_ =	shalt  }
0x59: {  	_ =	shalt  }
0x5a: {  	_ =	shalt  }
0x5b: {  	_ =	shalt  }
0x5c: {  	_ =	shalt  }
0x5d: {  	_ =	shalt  }
0x5e: {  	_ =	shalt  }
0x5f: {  	_ =	shalt  }
0x60: {  	_ =	shalt  }
0x61: {  	_ =	shalt  }
0x62: {  	_ =	shalt  }
0x63: {  	_ =	shalt  }
0x64: {  	_ =	shalt  }
0x65: {  	_ =	shalt  }
0x66: {  	_ =	shalt  }
0x67: {  	_ =	shalt  }
0x68: {  	_ =	shalt  }
0x69: {  	_ =	shalt  }
0x6a: {  	_ =	shalt  }
0x6b: {  	_ =	shalt  }
0x6c: {  	_ =	shalt  }
0x6d: {  	_ =	shalt  }
0x6e: {  	_ =	shalt  }
0x6f: {  	_ =	shalt  }
0x70: {  	_ =	shalt  }
0x71: {  	_ =	shalt  }
0x72: {  	_ =	shalt  }
0x73: {  	_ =	shalt  }
0x74: {  	_ =	shalt  }
0x75: {  	_ =	shalt  }
0x76: {  	_ =	shalt  }
0x77: {  	_ =	shalt  }
0x78: {  	_ =	shalt  }
0x79: {  	_ =	shalt  }
0x7a: {  	_ =	shalt  }
0x7b: {  	_ =	shalt  }
0x7c: {  	_ =	shalt  }
0x7d: {  	_ =	shalt  }
0x7e: {  	_ =	shalt  }
0x7f: {  	_ =	shalt  }
0x80: {  	_ =	shalt  }
0x81: {  	_ =	shalt  }
0x82: {  	_ =	shalt  }
0x83: {  	_ =	shalt  }
0x84: {  	_ =	shalt  }
0x85: {  	_ =	shalt  }
0x86: {  	_ =	shalt  }
0x87: {  	_ =	shalt  }
.Lfunc_end0:
.L_simem_size_0:
called_computation.1_lowered:
.L_overlay_start_0:
0x88: {  	s2 =	sld [smem:$0x3FD9]  }
0x89: {  	s3 =	sld [smem:$0x3FFE];
	_ =	sdelay $0x1  }
0x8a: {  	s1 =	srdreg.scid  }
0x8b: {  	s0 =	sand.u32 $0x1, s1  }
0x8c: {  	s16 =	sshll.u32 s0, $0xA;
	s2 =	sadd.s32 s3, s2  }
0x8d: {  	s2 =	sadd.s32 s2, s16  }
0x8e: {  	[smem:$0x3FBE] =	sst s2  }
0x8f: {  	_ = 	snop  }
0x90: {  	(tm) =	ssettm $0x1  }
0x91: {  	s17 =	sld [smem:$0x3FFB];
	_ =	sdelay $0x3  }
0x92: {  	_ =	strace s17  }
0x93: {  	s2 =	sld [smem:$0x3FFC];
	_ =	sdelay $0x3  }
0x94: {  	_ =	strace s2  }
0x95: {  	s2 =	sld [smem:$0x3FFD];
	_ =	sdelay $0x3  }
0x96: {  	_ =	strace s2  }
0x97: {  	_ =	strace $0x8FFFFFFF  }
0x98: {  	s18 =	sld [smem:$0x3FDB];
	_ =	sdelay $0x1  }
0x99: {  	s19 =	simm.s32 $_scs_section_size  }
0x9a: {  	s4 =	simm.s32 $_size__tile_overlayer_lowered;
	s5 =	simm.s32 $_tile_overlayer_lowered  }
0x9b: {  	s22 =	simm.s32 $0x1BFF;
	s21 =	sshll.u32 s5, $0x1;
	s2 =	sadd.s32 s19, s18  }
0x9c: {  	s6 =	simm.s32 $0x0;
	s20 =	sshll.u32 s4, $0x1;
	s4 =	sadd.s32 s21, s2  }
0x9d: {  	[timem:s6], [sflag:s22] =	dma.local [hbm:s4], s20  }
0x9e: {  	_ =	swait.ge [sflag:s22], s20  }
0x9f: {  	s3 =	ssub.s32 $0x0, s20;
	[sflag:s22] =	ssyncset.done $0x0  }
0xa0: {  	[sflag:s22] =	ssyncadd.s32 s3;
	_ =	sdelay $0x1  }
0xa1: {  	s23 =	simm.s32 $0x1B8B  }
0xa2: {  	_ =	swait.ge [sflag:s23], $0x1  }
0xa3: {  	[sflag:s23] =	ssyncset.done $0x0  }
0xa4: {  	s25 =	simm.s32 $0x1B8E;
	s24 =	sld [smem:$0x3FFE];
	[sflag:s23] =	ssyncadd.s32 $0xFFFFFFFF  }
0xa5: {  	s26 =	simm.s32 $execute0_lowered;
	[smem:$0x3FD2] =	sst s25  }
0xa6: {  	s4 =	sshll.u32 s26, $0x1;
	_ =	strace $0x80000049;
	[dreg:$0x1] =	wrdreg $0xFFFFFFFF  }
0xa7: {  	s28 =	simm.s32 $_size_execute0_lowered;
	s2 =	sadd.s32 s2, s4;
	[dreg:$0x0] =	wrdreg $0x0  }
0xa8: {  	s4 =	sshll.u32 s28, $0x1;
	[dreg:$0x2] =	wrdreg s2  }
0xa9: {  	[dreg:$0x3] =	wrdreg s4  }
0xaa: {  	[dreg:$0x4] =	wrdreg $0xC0  }
0xab: {  	_ =	task [dreg:s6], $0x5FFFF  }
0xac: {  	[dreg:$0x1] =	wrdreg $0xFFFFFFFF  }
0xad: {  	[dreg:$0x0] =	wrdreg $0x60  }
0xae: {  	[dreg:$0x2] =	wrdreg s24  }
0xaf: {  	[dreg:$0x3] =	wrdreg $0x9  }
0xb0: {  	_ =	task.clear_ibuf [dreg:s6], $0x4FFFF;
	_ =	strace $0x90000049  }
0xb1: {  	s29 =	simm.s32 $0x9;
	_ =	strace $0x8000004B  }
0xb2: {  	_ =	swait.ge [sflag:s29], $0x1  }
0xb3: {  	[sflag:s29] =	ssyncadd.s32 $0xFFFFFFFF  }
0xb4: {  	_ =	strace $0x9000004B  }
0xb5: {  	_ =	sfence  }
0xb6: {  	s30 =	sld [smem:$0x0];
	_ =	sdelay $0x2  }
0xb7: {  	s31 =	sshll.u32 s1, $0xD;
	s1 =	sshrl.u32 s1, $0x2  }
0xb8: {  	s3 =	sand.u32 $0x4000, s31;
	s1 =	sadd.s32 s1, s30  }
0xb9: {  	s0 =	sor.u32 s3, s0;
	s1 =	sshll.u32 s1, $0x11  }
0xba: {  	s0 =	sor.u32 s1, s0  }
0xbb: {  	s0 =	sadd.s32 $0x8F2B, s0  }
0xbc: {  	[sflag:s0] =	ssyncadd.remote.s32 $0x1  }
0xbd: {  	_ =	sfence.sel $0xFFFF  }
0xbe: {  	[dreg:$0x0] =	wrdreg $0xFFFFFFFF;
	(pc) =	sbr.abs _section_cstart, $3  }
0xbf: {  	[dreg:$0x1] =	wrdreg $0xFFFFFFFF  }
0xc0: {  	_ =	task.clear_ibuf [dreg:s6], $0x2FFFF;
	_ =	strace $0x9FFFFFFF  }
0xc1: {  	(tm) =	ssettm $0x7FFFFFFF  }
tec
execute0_lowered:
.L_overlay_start_1:
0x0: {  	(tag) =	ssettag $0x1  }
0x1: {  	s5 =	rddreg [dreg:$0x0]  }
0x2: {  	s0 =	rddreg [dreg:$0x1];
	s2 =	simm.s32 $0x0;
	s3 =	srdreg.scid  }
0x3: {  	s1 =	stileid.u32;
	s12 =	simm.s32 $0x14800;
	s13 =	simm.s32 $0xA000  }
0x4: {  	s14 =	simm.s32 $0x0;
	s6 =	sand.u32 $0x1, s3;
	s30 =	sshll.u32 s1, $0x1  }
0x5: {  	[smem:$0x7FF] =	sst s2;
	s8 =	sadd.s32 $0x14E00, s5;
	s7 =	sor.u32 s6, s30  }
0x6: {  	s3 =	sadd.s32 $0xB000, s5;
	s4 =	sadd.s32 $0x1200, s5;
	s9 =	smul.u32 $0xA000, s7  }
0x7: {  	s10 =	sadd.s32 $0x64E00, s5;
	s6 =	ssub.s32 $0x2, s6;
	s7 =	smul.u32 $0x1400, s7  }
0x8: {  	_ =	strace $0x8000004A;
	s31 =	sshrl.u32 s6, $0x1;
	s9 =	sshrl.u32 s9, $0x3  }
0x9: {  	s11 =	ssub.s32 s6, s31;
	s5 =	sadd.s32 s8, s7;
	s9 =	sadd.s32 $0x28000, s9  }
0xa: {  	s6 =	sadd.s32 s10, s7;
	s7 =	sadd.s32 s8, s9;
	s8 =	sadd.s32 s10, s9  }
0xb: {  	v0 =	vimm.f32 $0.0e+00;
	s9 =	smax.u32 s11, $0x1;
	s10 =	simm.s32 $0x1;
	s11 =	simm.s32 $0x14000  }
.LBB2_1:
0xc: {  	[tilespmem:s2], [sflag:$0x1] =	stream.linear.gather [hbm4b:s5+s2], $0xA000, $0x38;
	[tilespmem:$0x15000] =	vst v63  }
0xd: {  	_ =	swait.ge [sflag:s10], $0xA000  }
0xe: {  	[sflag:s10] =	ssyncset.done $0x0  }
0xf: {  	s15 =	simm.s32 $0x40;
	s16 =	simm.s32 $0x0;
	[sflag:s10] =	ssyncadd.s32 $0xFFFF6000  }
.LBB2_2:
0x10: {  	p0 =	sne.s32 s15, $0x27FC0;
	[tilespmem:s16+$0xA000] =	vst v0;
	s16 =	smov.u32 s15;
	s15 =	sadd.s32 $0x40, s15  }
.Ltmp0:
0x11: {  	(pc) =	sbr.rel @p0 .LBB2_2-.Ltmp0, $2  }
0x12: {  	_ =	sdelay $0x2  }
0x13: {  	s16 =	sshra.s32 s16, $0x2  }
0x14: {  	[tilespmem:s16+$0xA000] =	vst v0;
	s15 =	simm.s32 $0x0;
	s16 =	simm.s32 $0x0  }
.LBB2_4:
0x15: {  	s17 =	smul.u32 $0xFA, s16;
	_ =	sdelay $0x1  }
0x16: {  	s18 =	sadd.s32 s3, s17  }
0x17: {  	[tilespmem:s11], [sflag:$0x1] =	stream.linear.gather [hbm4b:s18+s15], $0x7D0, $0x38;
	[tilespmem:$0x15000] =	vst v63  }
0x18: {  	_ =	swait.ge [sflag:s10], $0x7D0  }
0x19: {  	[sflag:s10] =	ssyncset.done $0x0  }
0x1a: {  	s17 =	sadd.s32 s4, s17;
	[sflag:s10] =	ssyncadd.s32 $0xFFFFF830  }
0x1b: {  	[tilespmem:s12], [sflag:$0x1] =	stream.linear.gather [hbm4b:s17+s15], $0x7D0, $0x38;
	[tilespmem:$0x15000] =	vst v63  }
0x1c: {  	_ =	swait.ge [sflag:s10], $0x7D0  }
0x1d: {  	[sflag:s10] =	ssyncset.done $0x0  }
0x1e: {  	s31 =	simm.s32 $0x0;
	[sflag:s10] =	ssyncadd.s32 $0xFFFFF830  }
0x1f: {  	v1 =	vld [tilespmem:s31+$0x14000];
	_ =	sdelay $0x4  }
0x20: {  	v2 =	vld [tilespmem:s31+$0x14800];
	_ =	sdelay $0x2  }
0x21: {  	v3 =	vld.idx.msk [tilespmem:v1+s2+$0x0], $0xffff  }
0x22: {  	v4 =	vadd.s32 $0x2800, v1;
	_ =	sdelay $0x3  }
0x23: {  	[tilespmem:v2+s13+$0x0] =	vst.idx.add.f32.msk $0xffff, v3  }
0x24: {  	v62 =	vadd.s32 $0x2800, v2;
	v3 =	vld.idx.msk [tilespmem:v4+s2+$0x0], $0xffff  }
0x25: {  	v5 =	vadd.s32 $0x5000, v1;
	_ =	sdelay $0x3  }
0x26: {  	[tilespmem:v62+s13+$0x0] =	vst.idx.add.f32.msk $0xffff, v3  }
0x27: {  	v63 =	vadd.s32 $0x5000, v2;
	v3 =	vld.idx.msk [tilespmem:v5+s2+$0x0], $0xffff  }
0x28: {  	v1 =	vadd.s32 $0x7800, v1;
	_ =	sdelay $0x3  }
0x29: {  	[tilespmem:v63+s13+$0x0] =	vst.idx.add.f32.msk $0xffff, v3  }
0x2a: {  	s18 =	simm.s32 $0x80;
	s17 =	simm.s32 $0x40;
	v2 =	vadd.s32 $0x7800, v2;
	v1 =	vld.idx.msk [tilespmem:v1+s2+$0x0], $0xffff  }
.LBB2_5:
0x2b: {  	_ =	sdelay $0x2  }
0x2c: {  	p0 =	sne.s32 s18, $0x1F00  }
0x2d: {  	s19 =	sshra.s32 s17, $0x2;
	s17 =	smov.u32 s18;
	s18 =	sadd.s32 $0x40, s18;
	[tilespmem:v2+s13+$0x0] =	vst.idx.add.f32.msk $0xffff, v1  }
0x2e: {  	v1 =	vld [tilespmem:s19+$0x14000];
	_ =	sdelay $0x5  }
0x2f: {  	v2 =	vld [tilespmem:s19+$0x14800];
	_ =	sdelay $0x1  }
0x30: {  	v3 =	vld.idx.msk [tilespmem:v1+s2+$0x0], $0xffff;
	_ =	sdelay $0x1  }
0x31: {  	v4 =	vadd.s32 $0x2800, v1;
	_ =	sdelay $0x3  }
0x32: {  	[tilespmem:v2+s13+$0x0] =	vst.idx.add.f32.msk $0xffff, v3  }
0x33: {  	v3 =	vld.idx.msk [tilespmem:v4+s2+$0x0], $0xffff  }
0x34: {  	v4 =	vadd.s32 $0x2800, v2  }
0x35: {  	v5 =	vadd.s32 $0x5000, v1;
	_ =	sdelay $0x3  }
0x36: {  	[tilespmem:v4+s13+$0x0] =	vst.idx.add.f32.msk $0xffff, v3  }
0x37: {  	v3 =	vld.idx.msk [tilespmem:v5+s2+$0x0], $0xffff  }
0x38: {  	v4 =	vadd.s32 $0x5000, v2  }
0x39: {  	v1 =	vadd.s32 $0x7800, v1;
	_ =	sdelay $0x1  }
.Ltmp1:
0x3a: {  	(pc) =	sbr.rel @p0 .LBB2_5-.Ltmp1, $4  }
0x3b: {  	_ = 	snop  }
0x3c: {  	[tilespmem:v4+s13+$0x0] =	vst.idx.add.f32.msk $0xffff, v3  }
0x3d: {  	v1 =	vld.idx.msk [tilespmem:v1+s2+$0x0], $0xffff  }
0x3e: {  	v2 =	vadd.s32 $0x7800, v2  }
0x3f: {  	_ =	sdelay $0x3  }
0x40: {  	s17 =	sshra.s32 s17, $0x2;
	[tilespmem:v2+s13+$0x0] =	vst.idx.add.f32.msk $0xffff, v1  }
0x41: {  	v1 =	vld [tilespmem:s17+$0x14000];
	_ =	sdelay $0x4  }
0x42: {  	v2 =	vld [tilespmem:s17+$0x14800];
	_ =	sdelay $0x2  }
0x43: {  	v3 =	vld.idx.msk [tilespmem:v1+s2+$0x0], $0xffff  }
0x44: {  	v4 =	vadd.s32 $0x2800, v1;
	_ =	sdelay $0x3  }
0x45: {  	[tilespmem:v2+s13+$0x0] =	vst.idx.add.f32.msk $0xffff, v3  }
0x46: {  	v62 =	vadd.s32 $0x2800, v2;
	v3 =	vld.idx.msk [tilespmem:v4+s2+$0x0], $0xffff  }
0x47: {  	v5 =	vadd.s32 $0x5000, v1;
	_ =	sdelay $0x3  }
0x48: {  	[tilespmem:v62+s13+$0x0] =	vst.idx.add.f32.msk $0xffff, v3  }
0x49: {  	v63 =	vadd.s32 $0x5000, v2;
	v3 =	vld.idx.msk [tilespmem:v5+s2+$0x0], $0xffff  }
0x4a: {  	v1 =	vadd.s32 $0x7800, v1;
	_ =	sdelay $0x3  }
0x4b: {  	s16 =	sadd.s32 $0x1, s16;
	[tilespmem:v63+s13+$0x0] =	vst.idx.add.f32.msk $0xffff, v3  }
0x4c: {  	p0 =	sne.s32 s16, $0xA0;
	v2 =	vadd.s32 $0x7800, v2;
	v1 =	vld.idx.msk [tilespmem:v1+s2+$0x0], $0xffff  }
.Ltmp2:
0x4d: {  	_ = 	snop;
	(pc) =	sbr.rel @p0 .LBB2_4-.Ltmp2, $2  }
0x4e: {  	_ =	sdelay $0x2  }
0x4f: {  	[tilespmem:v2+s13+$0x0] =	vst.idx.add.f32.msk $0xffff, v1  }
0x50: {  	s15 =	simm.s32 $0x0  }
0x51: {  	[hbm4b:s6+s15] =	stream.linear.scatter [tilespmem:s13], [sflag:$0x1], $0xA000, $0x38;
	[tilespmem:$0x15000] =	vst v63  }
0x52: {  	_ =	swait.ge [sflag:s10], $0xA000  }
0x53: {  	[sflag:s10] =	ssyncset.done $0x0  }
0x54: {  	[sflag:s10] =	ssyncadd.s32 $0xFFFF6000  }
0x55: {  	[tilespmem:s15], [sflag:$0x1] =	stream.linear.gather [hbm4b:s7+s15], $0xA000, $0x38;
	[tilespmem:$0x15000] =	vst v63  }
0x56: {  	_ =	swait.ge [sflag:s10], $0xA000  }
0x57: {  	[sflag:s10] =	ssyncset.done $0x0  }
0x58: {  	s16 =	simm.s32 $0x40;
	s17 =	simm.s32 $0x0;
	[sflag:s10] =	ssyncadd.s32 $0xFFFF6000  }
.LBB2_8:
0x59: {  	p0 =	sne.s32 s16, $0x27FC0;
	[tilespmem:s17+$0xA000] =	vst v0;
	s17 =	smov.u32 s16;
	s16 =	sadd.s32 $0x40, s16  }
.Ltmp3:
0x5a: {  	(pc) =	sbr.rel @p0 .LBB2_8-.Ltmp3, $2  }
0x5b: {  	_ =	sdelay $0x2  }
0x5c: {  	s17 =	sshra.s32 s17, $0x2  }
0x5d: {  	[tilespmem:s17+$0xA000] =	vst v0  }
.LBB2_10:
0x5e: {  	s16 =	smul.u32 $0xFA, s15;
	_ =	sdelay $0x1  }
0x5f: {  	s18 =	simm.s32 $0x0;
	s17 =	sadd.s32 s3, s16  }
0x60: {  	[tilespmem:s11], [sflag:$0x1] =	stream.linear.gather [hbm4b:s17+s18], $0x7D0, $0x38;
	[tilespmem:$0x15000] =	vst v63  }
0x61: {  	_ =	swait.ge [sflag:s10], $0x7D0  }
0x62: {  	[sflag:s10] =	ssyncset.done $0x0  }
0x63: {  	s16 =	sadd.s32 s4, s16;
	[sflag:s10] =	ssyncadd.s32 $0xFFFFF830  }
0x64: {  	[tilespmem:s12], [sflag:$0x1] =	stream.linear.gather [hbm4b:s16+s18], $0x7D0, $0x38;
	[tilespmem:$0x15000] =	vst v63  }
0x65: {  	_ =	swait.ge [sflag:s10], $0x7D0  }
0x66: {  	[sflag:s10] =	ssyncset.done $0x0  }
0x67: {  	s31 =	simm.s32 $0x0;
	[sflag:s10] =	ssyncadd.s32 $0xFFFFF830  }
0x68: {  	v1 =	vld [tilespmem:s31+$0x14000];
	_ =	sdelay $0x4  }
0x69: {  	v2 =	vld [tilespmem:s31+$0x14800];
	_ =	sdelay $0x2  }
0x6a: {  	v3 =	vld.idx.msk [tilespmem:v1+s2+$0x0], $0xffff  }
0x6b: {  	v4 =	vadd.s32 $0x2800, v1;
	_ =	sdelay $0x3  }
0x6c: {  	[tilespmem:v2+s13+$0x0] =	vst.idx.add.f32.msk $0xffff, v3  }
0x6d: {  	v62 =	vadd.s32 $0x2800, v2;
	v3 =	vld.idx.msk [tilespmem:v4+s2+$0x0], $0xffff  }
0x6e: {  	v5 =	vadd.s32 $0x5000, v1;
	_ =	sdelay $0x3  }
0x6f: {  	[tilespmem:v62+s13+$0x0] =	vst.idx.add.f32.msk $0xffff, v3  }
0x70: {  	v63 =	vadd.s32 $0x5000, v2;
	v3 =	vld.idx.msk [tilespmem:v5+s2+$0x0], $0xffff  }
0x71: {  	v1 =	vadd.s32 $0x7800, v1;
	_ =	sdelay $0x3  }
0x72: {  	[tilespmem:v63+s13+$0x0] =	vst.idx.add.f32.msk $0xffff, v3  }
0x73: {  	s17 =	simm.s32 $0x80;
	s16 =	simm.s32 $0x40;
	v2 =	vadd.s32 $0x7800, v2;
	v1 =	vld.idx.msk [tilespmem:v1+s2+$0x0], $0xffff  }
.LBB2_11:
0x74: {  	_ =	sdelay $0x2  }
0x75: {  	p0 =	sne.s32 s17, $0x1F00  }
0x76: {  	s18 =	sshra.s32 s16, $0x2;
	s16 =	smov.u32 s17;
	s17 =	sadd.s32 $0x40, s17;
	[tilespmem:v2+s13+$0x0] =	vst.idx.add.f32.msk $0xffff, v1  }
0x77: {  	v1 =	vld [tilespmem:s18+$0x14000];
	_ =	sdelay $0x5  }
0x78: {  	v2 =	vld [tilespmem:s18+$0x14800];
	_ =	sdelay $0x1  }
0x79: {  	v3 =	vld.idx.msk [tilespmem:v1+s2+$0x0], $0xffff;
	_ =	sdelay $0x1  }
0x7a: {  	v4 =	vadd.s32 $0x2800, v1;
	_ =	sdelay $0x3  }
0x7b: {  	[tilespmem:v2+s13+$0x0] =	vst.idx.add.f32.msk $0xffff, v3  }
0x7c: {  	v3 =	vld.idx.msk [tilespmem:v4+s2+$0x0], $0xffff  }
0x7d: {  	v4 =	vadd.s32 $0x2800, v2  }
0x7e: {  	v5 =	vadd.s32 $0x5000, v1;
	_ =	sdelay $0x3  }
0x7f: {  	[tilespmem:v4+s13+$0x0] =	vst.idx.add.f32.msk $0xffff, v3  }
0x80: {  	v3 =	vld.idx.msk [tilespmem:v5+s2+$0x0], $0xffff  }
0x81: {  	v4 =	vadd.s32 $0x5000, v2  }
0x82: {  	v1 =	vadd.s32 $0x7800, v1;
	_ =	sdelay $0x1  }
.Ltmp4:
0x83: {  	(pc) =	sbr.rel @p0 .LBB2_11-.Ltmp4, $4  }
0x84: {  	_ = 	snop  }
0x85: {  	[tilespmem:v4+s13+$0x0] =	vst.idx.add.f32.msk $0xffff, v3  }
0x86: {  	v1 =	vld.idx.msk [tilespmem:v1+s2+$0x0], $0xffff  }
0x87: {  	v2 =	vadd.s32 $0x7800, v2  }
0x88: {  	_ =	sdelay $0x3  }
0x89: {  	s16 =	sshra.s32 s16, $0x2;
	[tilespmem:v2+s13+$0x0] =	vst.idx.add.f32.msk $0xffff, v1  }
0x8a: {  	v1 =	vld [tilespmem:s16+$0x14000];
	_ =	sdelay $0x4  }
0x8b: {  	v2 =	vld [tilespmem:s16+$0x14800];
	_ =	sdelay $0x2  }
0x8c: {  	v3 =	vld.idx.msk [tilespmem:v1+s2+$0x0], $0xffff  }
0x8d: {  	v4 =	vadd.s32 $0x2800, v1;
	_ =	sdelay $0x3  }
0x8e: {  	[tilespmem:v2+s13+$0x0] =	vst.idx.add.f32.msk $0xffff, v3  }
0x8f: {  	v62 =	vadd.s32 $0x2800, v2;
	v3 =	vld.idx.msk [tilespmem:v4+s2+$0x0], $0xffff  }
0x90: {  	v5 =	vadd.s32 $0x5000, v1;
	_ =	sdelay $0x3  }
0x91: {  	[tilespmem:v62+s13+$0x0] =	vst.idx.add.f32.msk $0xffff, v3  }
0x92: {  	v63 =	vadd.s32 $0x5000, v2;
	v3 =	vld.idx.msk [tilespmem:v5+s2+$0x0], $0xffff  }
0x93: {  	v1 =	vadd.s32 $0x7800, v1;
	_ =	sdelay $0x3  }
0x94: {  	s15 =	sadd.s32 $0x1, s15;
	[tilespmem:v63+s13+$0x0] =	vst.idx.add.f32.msk $0xffff, v3  }
0x95: {  	p0 =	sne.s32 s15, $0xA0;
	v2 =	vadd.s32 $0x7800, v2;
	v1 =	vld.idx.msk [tilespmem:v1+s2+$0x0], $0xffff  }
.Ltmp5:
0x96: {  	_ = 	snop;
	(pc) =	sbr.rel @p0 .LBB2_10-.Ltmp5, $2  }
0x97: {  	_ =	sdelay $0x2  }
0x98: {  	[tilespmem:v2+s13+$0x0] =	vst.idx.add.f32.msk $0xffff, v1  }
0x99: {  	s14 =	sadd.s32 $0x1, s14  }
0x9a: {  	p0 =	sne.s32 s14, s9  }
.Ltmp6:
0x9b: {  	_ = 	snop;
	(pc) =	sbr.rel @p0 .LBB2_1-.Ltmp6, $4  }
0x9c: {  	[hbm4b:s8+s2] =	stream.linear.scatter [tilespmem:s13], [sflag:$0x1], $0xA000, $0x38;
	[tilespmem:$0x15000] =	vst v63  }
0x9d: {  	_ =	swait.ge [sflag:s10], $0xA000  }
0x9e: {  	[sflag:s10] =	ssyncset.done $0x0  }
0x9f: {  	[sflag:s10] =	ssyncadd.s32 $0xFFFF6000  }
0xa0: {  	_ =	sfence.sel $0x180000  }
0xa1: {  	[bflag:$0x0] =	sbarrier.arrive $0xFFFF  }
0xa2: {  	p0 =	sne.s32 s1, $0x0;
	_ =	strace $0x9000004A  }
0xa3: {  	s0 =	sadd.s32 @!p0 $0x100000, s0;
	[bflag:$0x2] =	sbarrier.arrive $0xFFFF  }
0xa4: {  	[sflag:s0] =	ssyncadd.tile.s32 @!p0 $0x1;
	_ =	shalt  }
.Lfunc_end2:
_tile_overlayer_lowered:
.L_overlay_start_2:
0xa5: {  	(tag) =	ssettag $0x2  }
0xa6: {  	s0 =	rddreg [dreg:$0x0];
	s2 =	stileid.u32  }
0xa7: {  	s1 =	rddreg [dreg:$0x1];
	p0 =	sne.s32 s2, $0x0  }
0xa8: {  	s3 =	rddreg [dreg:$0x2];
	[bflag:$0x3] =	sbarrier.arrive $0xFFFF;
	s2 =	simm.s32 @!p0 $0x1C01  }
0xa9: {  	[timem:s3], [sflag:s2] =	dma.local @!p0 [hbm:s0], s1  }
0xaa: {  	s0 =	simm.s32 @!p0 $0x1  }
0xab: {  	_ =	swait.ge @!p0 [sflag:s0], s1  }
0xac: {  	s1 =	ssub.s32 @!p0 $0x0, s1;
	[sflag:s0] =	ssyncset.done @!p0 $0x0  }
0xad: {  	[sflag:s0] =	ssyncadd.s32 @!p0 s1  }
0xae: {  	[bflag:$0x3] =	sbarrier.arrive $0xFFFF  }
0xaf: {  	_ =	shalt  }

</sc_bundles>
